<compile_context>
chip_gen: v7x
topology: tpu7x:2x2x1
jax: 0.10.2.dev20260603
libtpu: 0.0.44.dev20260713+nightly
codegen_flags: <defaults>
</compile_context>

<pallas_src>
import functools

import jax
import jax.numpy as jnp
from jax import lax
from jax.experimental import pallas as pl
from jax.experimental.pallas import tpu as pltpu
from jax.experimental.pallas import tpu_sc as plsc

BATCH = 16384
NUM_CLASSES = 1000
BLOCK_ROWS = 2048

NUM_SC_CORES = 2
NUM_SUBCORES = 16
NUM_TILES = NUM_SC_CORES * NUM_SUBCORES

N_SC = 1024
ROWS_PER_TILE = N_SC // NUM_TILES
WIN = 8
N_WIN = ROWS_PER_TILE // WIN
FULL_CHUNKS = NUM_CLASSES // 16
TAIL_START = NUM_CLASSES - 16


def _tc_ce_kernel(x_ref, lab_ref, out_ref):
    i = pl.program_id(0)
    x = x_ref[...]
    m = jnp.max(x, axis=1, keepdims=True)
    s = jnp.sum(jnp.exp(x - m), axis=1, keepdims=True)
    lse = m + jnp.log(s)
    cols = jax.lax.broadcasted_iota(jnp.int32, x.shape, 1)
    l0 = lab_ref[:, 0:1]
    l1 = lab_ref[:, 1:2]
    mask = (cols == l0).astype(jnp.float32) + (cols == l1).astype(jnp.float32)
    picked = jnp.sum(x * mask, axis=1, keepdims=True)
    block_sum = jnp.sum(lse - 0.5 * picked).reshape(1, 1)

    @pl.when(i == 0)
    def _():
        out_ref[...] = block_sum

    @pl.when(i != 0)
    def _():
        out_ref[...] += block_sum


def _sc_rows_kernel(x_hbm, lab_hbm, srow_hbm, pick_hbm,
                    win_v, lab_v, srow_v, stage_v, sem):
    wid = lax.axis_index("s") * NUM_SC_CORES + lax.axis_index("c")
    row0 = (BATCH - N_SC) + wid * ROWS_PER_TILE
    lane = lax.iota(jnp.int32, 16)
    row_sel = lane >> 1

    pltpu.sync_copy(lab_hbm.at[pl.ds(row0 * 2, 2 * ROWS_PER_TILE)], lab_v)

    gather_dnums = lax.GatherDimensionNumbers(
        offset_dims=(), collapsed_slice_dims=(0,), start_index_map=(0,))

    def _bcast_lane(vec, k):
        idx = jnp.full((16, 1), k, jnp.int32)
        return lax.gather(vec, idx, gather_dnums, (1,),
                          mode=lax.GatherScatterMode.PROMISE_IN_BOUNDS)

    def window_body(w, acc_pick):
        pltpu.sync_copy(x_hbm.at[pl.ds(row0 + w * WIN, WIN), :], win_v)
        lab16 = lab_v[pl.ds(w * 16, 16)]
        for r in range(WIN):
            l0v = _bcast_lane(lab16, 2 * r)
            l1v = _bcast_lane(lab16, 2 * r + 1)

            def chunk_body(c, carry):
                acc, ap = carry
                chunk = win_v[r, pl.ds(c * 16, 16)]
                col = c * 16 + lane
                ap = (ap + jnp.where(col == l0v, chunk, 0.0)
                      + jnp.where(col == l1v, chunk, 0.0))
                return acc + jnp.exp(chunk), ap

            acc, acc_pick = lax.fori_loop(
                0, FULL_CHUNKS, chunk_body,
                (jnp.zeros((16,), jnp.float32), acc_pick))
            tailc = win_v[r, pl.ds(TAIL_START, 16)]
            tcol = TAIL_START + lane
            valid = lane >= 8
            acc = acc + jnp.where(valid, jnp.exp(tailc), 0.0)
            acc_pick = (acc_pick
                        + jnp.where(valid & (tcol == l0v), tailc, 0.0)
                        + jnp.where(valid & (tcol == l1v), tailc, 0.0))
            srow_v[pl.ds((w * WIN + r) * 16, 16)] = acc
        return acc_pick

    acc_pick = lax.fori_loop(0, N_WIN, window_body,
                             jnp.zeros((16,), jnp.float32))
    stage_v[...] = acc_pick
    pltpu.sync_copy(srow_v, srow_hbm.at[pl.ds(wid * ROWS_PER_TILE * 16,
                                              ROWS_PER_TILE * 16)])
    pltpu.sync_copy(stage_v, pick_hbm.at[wid])


def _tc_combine_kernel(s_ref, tcpart_ref, pick_ref, out_ref):
    s = jnp.sum(s_ref[...], axis=1, keepdims=True)
    lse_sum = jnp.sum(jnp.log(s))
    picked_sum = jnp.sum(pick_ref[...])
    out_ref[...] = (tcpart_ref[...] + lse_sum - 0.5 * picked_sum) / BATCH


@functools.partial(jax.jit, static_argnames=("session_len", "epoch"))
def _ce_loss(outputs, labels, kl_temp, session_len=50, epoch=1):
    B, C = outputs.shape
    labels = labels.astype(jnp.int32)
    labels_flat = labels.reshape(-1)

    srow, pick_partials = pl.kernel(
        _sc_rows_kernel,
        out_type=[
            jax.ShapeDtypeStruct((N_SC * 16,), jnp.float32),
            jax.ShapeDtypeStruct((NUM_TILES, 16), jnp.float32),
        ],
        mesh=plsc.VectorSubcoreMesh(core_axis_name="c", subcore_axis_name="s"),
        scratch_types=[
            pltpu.VMEM((WIN, NUM_CLASSES), jnp.float32),
            pltpu.VMEM((2 * ROWS_PER_TILE,), jnp.int32),
            pltpu.VMEM((ROWS_PER_TILE * 16,), jnp.float32),
            pltpu.VMEM((16,), jnp.float32),
            pltpu.SemaphoreType.DMA,
        ],
    )(outputs, labels_flat)

    n_tc_rows = B - N_SC
    tc_part = pl.pallas_call(
        _tc_ce_kernel,
        grid=(n_tc_rows // BLOCK_ROWS,),
        in_specs=[
            pl.BlockSpec((BLOCK_ROWS, C), lambda i: (i, 0)),
            pl.BlockSpec((BLOCK_ROWS, 2), lambda i: (i, 0)),
        ],
        out_specs=pl.BlockSpec((1, 1), lambda i: (0, 0)),
        out_shape=jax.ShapeDtypeStruct((1, 1), jnp.float32),
    )(outputs, labels)

    total = pl.pallas_call(
        _tc_combine_kernel,
        in_specs=[
            pl.BlockSpec((N_SC, 16), lambda: (0, 0)),
            pl.BlockSpec((1, 1), lambda: (0, 0)),
            pl.BlockSpec((NUM_TILES, 16), lambda: (0, 0)),
        ],
        out_specs=pl.BlockSpec((1, 1), lambda: (0, 0)),
        out_shape=jax.ShapeDtypeStruct((1, 1), jnp.float32),
    )(srow.reshape(N_SC, 16), tc_part, pick_partials)

    reg = 0.001 * jnp.sum(jnp.log(kl_temp + 1e-10) ** 2)
    return total[0, 0] + reg


def kernel(outputs, labels, session_len, epoch, kl_temp):
    return _ce_loss(outputs, labels, kl_temp)

# --- scband reference (transcript-rebuilt; emitter-appended) ---
"""Pipeline reference for scband-ce-loss-mt-autocl-31164282700299 (READ-ONLY COPY).

The authoritative reference and input builder live on the scoring server;
editing this copy changes nothing except your own understanding.
"""

import jax, jax.numpy as jnp
import numpy as np

NUM_CLASSES = 1000
NUM_KL_CLASS = 3
BATCH = 16384
LABELS_PER_SAMPLE = 2


def setup_inputs(seed: int = 0):
    key = jax.random.key(seed)
    k1, k2 = jax.random.split(key)
    outputs = jax.random.normal(k1, (BATCH, NUM_CLASSES), dtype=jnp.float32)
    labels = jax.random.randint(k2, (BATCH, LABELS_PER_SAMPLE), 0, NUM_CLASSES, dtype=jnp.int64 if jax.config.jax_enable_x64 else jnp.int32)
    kl_temp = jnp.ones((NUM_KL_CLASS,), dtype=jnp.float32)
    return {"outputs": outputs, "labels": labels, "session_len": 50, "epoch": 1, "kl_temp": kl_temp}


def labels_to_probs(labels, num_classes):
    # Equivalent of torch labels_to_probs for fixed-width multi-label tensor [B, L]
    B, L = labels.shape
    rows = jnp.repeat(jnp.arange(B), L)
    cols = labels.reshape(-1)
    scales = jnp.full((B * L,), 1.0 / L, dtype=jnp.float32)
    probs = jnp.zeros((B, num_classes), dtype=jnp.float32).at[rows, cols].add(scales)
    return probs


def reference(outputs, labels, session_len, epoch, kl_temp):
    B = outputs.shape[0]
    train_targets = labels_to_probs(labels, NUM_CLASSES)
    target_entropy = -jnp.sum(train_targets * jnp.log(train_targets + 1e-10), axis=1)
    logp = jax.nn.log_softmax(outputs, axis=1)
    cross_entropy = -jnp.sum(train_targets * logp, axis=1)
    kl_divergence = cross_entropy - target_entropy
    # descending sort indices (like torch.sort(descending=True))
    sorted_indices = jnp.argsort(-kl_divergence)
    num_each_class = B // NUM_KL_CLASS
    rank_class = jnp.minimum(jnp.arange(B) // num_each_class, NUM_KL_CLASS - 1)
    kl_classes = jnp.zeros((B,), dtype=jnp.int32).at[sorted_indices].set(rank_class)
    temperature = kl_temp[kl_classes]
    scaled = outputs / temperature[:, None]
    logp2 = jax.nn.log_softmax(scaled, axis=1)
    ce_loss = jnp.mean(-jnp.sum(train_targets * logp2, axis=1))
    reg = 0.001 * jnp.sum(jnp.log(temperature + 1e-10) ** 2)
    total_loss = ce_loss + reg
    return total_loss

if __name__ == "__main__":
    import jax
    _d = setup_inputs()
    print(jax.jit(kernel)(*tuple(_d.values())))

</pallas_src>

<mosaic_0001>
#map = affine_map<(d0, d1) -> (0, 0)>
#map1 = affine_map<(d0, d1) -> (0)>
module attributes {stable_mosaic.version = 14 : i64} {
  func.func @_sc_rows_kernel(%arg0: i32, %arg1: i32, %arg2: memref<16384x1000xf32, #tpu.memory_space<hbm>>, %arg3: memref<32768xi32, #tpu.memory_space<hbm>>, %arg4: memref<16384xf32, #tpu.memory_space<hbm>>, %arg5: memref<32x16xf32, #tpu.memory_space<hbm>>, %arg6: memref<8x1000xf32, #tpu.memory_space<vmem>>, %arg7: memref<64xi32, #tpu.memory_space<vmem>>, %arg8: memref<512xf32, #tpu.memory_space<vmem>>, %arg9: memref<16xf32, #tpu.memory_space<vmem>>, %arg10: memref<!tpu.dma_semaphore, #tpu.memory_space<semaphore_mem>>) attributes {dimension_semantics = [#tpu.dimension_semantics<core_parallel>, #tpu.dimension_semantics<subcore_parallel>], iteration_bounds = array<i64: 2, 16>, scalar_prefetch = 0 : i64, scratch_operands = 5 : i64, tpu.core_type = #tpu.core_type<sc_vector_subcore>, window_params = [{transform_indices = #map}, {transform_indices = #map1}, {transform_indices = #map1}, {transform_indices = #map}]} {
    %mul3A = arith.constant 2 : i32
    %mul3A_0 = arith.muli %arg1, %mul3A : i32
    %add3A = arith.addi %mul3A_0, %arg0 : i32
    %mul3A_1 = arith.constant 32 : i32
    %mul3A_2 = arith.muli %add3A, %mul3A_1 : i32
    %add3A_3 = arith.constant 15360 : i32
    %add3A_4 = arith.addi %add3A_3, %mul3A_2 : i32
    %iota3A = tpu.iota {dimensions = array<i32: 0>} : vector<16xi32>
    %shift_right_arithmetic3A = arith.constant 1 : i32
    %shift_right_arithmetic3A_5 = vector.broadcast %shift_right_arithmetic3A : i32 to vector<16xi32>
    %shift_right_arithmetic3A_6 = arith.shrsi %iota3A, %shift_right_arithmetic3A_5 : vector<16xi32>
    %mul3A_7 = arith.constant 2 : i32
    %mul3A_8 = arith.muli %add3A_4, %mul3A_7 : i32
    "tpu.region"() ({
      %run_scoped3A = tpu.sem_alloc : memref<!tpu.dma_semaphore, #tpu.memory_space<semaphore_mem>>
      %dma_start3A = tpu.memref_slice %arg3[%mul3A_8] : memref<32768xi32, #tpu.memory_space<hbm>> -> memref<64xi32, #tpu.memory_space<hbm>>
      %dma_start3A_22 = tpu.memref_slice %arg3[%mul3A_8] : memref<32768xi32, #tpu.memory_space<hbm>> -> memref<64xi32, #tpu.memory_space<hbm>>
      tpu.enqueue_dma source(%dma_start3A_22 : memref<64xi32, #tpu.memory_space<hbm>>) target(%arg7 : memref<64xi32, #tpu.memory_space<vmem>>) target_semaphore(%run_scoped3A : memref<!tpu.dma_semaphore, #tpu.memory_space<semaphore_mem>>)
      %dma_wait3A = tpu.memref_slice %arg3[%mul3A_8] : memref<32768xi32, #tpu.memory_space<hbm>> -> memref<64xi32, #tpu.memory_space<hbm>>
      %dma_wait3A_23 = tpu.memref_slice %arg3[%mul3A_8] : memref<32768xi32, #tpu.memory_space<hbm>> -> memref<64xi32, #tpu.memory_space<hbm>>
      tpu.wait_dma2 semaphore(%run_scoped3A : memref<!tpu.dma_semaphore, #tpu.memory_space<semaphore_mem>>) src(%dma_wait3A_23 : memref<64xi32, #tpu.memory_space<hbm>>) dst(%arg7 : memref<64xi32, #tpu.memory_space<vmem>>)
      tpu.yield
    }) : () -> ()
    %broadcast_in_dim3A = arith.constant 0.000000e+00 : f32
    %broadcast_in_dim3A_9 = vector.broadcast %broadcast_in_dim3A : f32 to vector<16xf32>
    %scan3A = arith.constant 0 : i32
    %scan3A_10 = arith.constant 4 : i32
    %scan3A_11 = arith.addi %scan3A, %scan3A_10 : i32
    %scan3A_12 = arith.constant 1 : i32
    %scan3A_13 = scf.for %scan3A_22 = %scan3A to %scan3A_11 step %scan3A_12 iter_args(%scan3A_23 = %broadcast_in_dim3A_9) -> (vector<16xf32>)  : i32 {
      %mul3A_24 = arith.constant 8 : i32
      %mul3A_25 = arith.muli %scan3A_22, %mul3A_24 : i32
      %add3A_26 = arith.addi %add3A_4, %mul3A_25 : i32
      "tpu.region"() ({
        %run_scoped3A = tpu.sem_alloc : memref<!tpu.dma_semaphore, #tpu.memory_space<semaphore_mem>>
        %dma_start3A = arith.constant 0 : i32
        %dma_start3A_456 = tpu.memref_slice %arg2[%add3A_26, %dma_start3A] : memref<16384x1000xf32, #tpu.memory_space<hbm>> -> memref<8x1000xf32, #tpu.memory_space<hbm>>
        %dma_start3A_457 = arith.constant 0 : i32
        %dma_start3A_458 = tpu.memref_slice %arg2[%add3A_26, %dma_start3A_457] : memref<16384x1000xf32, #tpu.memory_space<hbm>> -> memref<8x1000xf32, #tpu.memory_space<hbm>>
        tpu.enqueue_dma source(%dma_start3A_458 : memref<8x1000xf32, #tpu.memory_space<hbm>>) target(%arg6 : memref<8x1000xf32, #tpu.memory_space<vmem>>) target_semaphore(%run_scoped3A : memref<!tpu.dma_semaphore, #tpu.memory_space<semaphore_mem>>)
        %dma_wait3A = arith.constant 0 : i32
        %dma_wait3A_459 = tpu.memref_slice %arg2[%add3A_26, %dma_wait3A] : memref<16384x1000xf32, #tpu.memory_space<hbm>> -> memref<8x1000xf32, #tpu.memory_space<hbm>>
        %dma_wait3A_460 = arith.constant 0 : i32
        %dma_wait3A_461 = tpu.memref_slice %arg2[%add3A_26, %dma_wait3A_460] : memref<16384x1000xf32, #tpu.memory_space<hbm>> -> memref<8x1000xf32, #tpu.memory_space<hbm>>
        tpu.wait_dma2 semaphore(%run_scoped3A : memref<!tpu.dma_semaphore, #tpu.memory_space<semaphore_mem>>) src(%dma_wait3A_461 : memref<8x1000xf32, #tpu.memory_space<hbm>>) dst(%arg6 : memref<8x1000xf32, #tpu.memory_space<vmem>>)
        tpu.yield
      }) : () -> ()
      %mul3A_27 = arith.constant 16 : i32
      %mul3A_28 = arith.muli %scan3A_22, %mul3A_27 : i32
      %get3A = arith.index_cast %mul3A_28 : i32 to index
      %get3A_29 = tpu.vector_load %arg7[%get3A] {strides = array<i32>} : memref<64xi32, #tpu.memory_space<vmem>>, vector<16xi32>,
      %get3A_30 = vector.shape_cast %get3A_29 : vector<16xi32> to vector<16xi32>
      %broadcast_in_dim3A_31 = arith.constant 0 : i32
      %broadcast_in_dim3A_32 = vector.broadcast %broadcast_in_dim3A_31 : i32 to vector<16x1xi32>
      %gather3A = vector.shape_cast %broadcast_in_dim3A_32 : vector<16x1xi32> to vector<16xi32>
      %gather3A_33 = tpu.dynamic_gather %get3A_30[%gather3A] in [0] : vector<16xi32>, vector<16xi32> -> vector<16xi32>
      %broadcast_in_dim3A_34 = arith.constant 1 : i32
      %broadcast_in_dim3A_35 = vector.broadcast %broadcast_in_dim3A_34 : i32 to vector<16x1xi32>
      %gather3A_36 = vector.shape_cast %broadcast_in_dim3A_35 : vector<16x1xi32> to vector<16xi32>
      %gather3A_37 = tpu.dynamic_gather %get3A_30[%gather3A_36] in [0] : vector<16xi32>, vector<16xi32> -> vector<16xi32>
      %broadcast_in_dim3A_38 = arith.constant 0.000000e+00 : f32
      %broadcast_in_dim3A_39 = vector.broadcast %broadcast_in_dim3A_38 : f32 to vector<16xf32>
      %scan3A_40 = arith.constant 0 : i32
      %scan3A_41 = arith.constant 62 : i32
      %scan3A_42 = arith.addi %scan3A_40, %scan3A_41 : i32
      %scan3A_43 = arith.constant 1 : i32
      %scan3A_44:2 = scf.for %scan3A_456 = %scan3A_40 to %scan3A_42 step %scan3A_43 iter_args(%scan3A_457 = %broadcast_in_dim3A_39, %scan3A_458 = %scan3A_23) -> (vector<16xf32>, vector<16xf32>)  : i32 {
        %mul3A_459 = arith.constant 16 : i32
        %mul3A_460 = arith.muli %scan3A_456, %mul3A_459 : i32
        %get3A_461 = arith.constant 0 : i32
        %get3A_462 = arith.index_cast %get3A_461 : i32 to index
        %get3A_463 = arith.index_cast %mul3A_460 : i32 to index
        %get3A_464 = tpu.vector_load %arg6[%get3A_462, %get3A_463] {strides = array<i32>} : memref<8x1000xf32, #tpu.memory_space<vmem>>, vector<1x16xf32>,
        %get3A_465 = vector.shape_cast %get3A_464 : vector<1x16xf32> to vector<16xf32>
        %mul3A_466 = arith.constant 16 : i32
        %mul3A_467 = arith.muli %scan3A_456, %mul3A_466 : i32
        %add3A_468 = vector.broadcast %mul3A_467 : i32 to vector<16xi32>
        %add3A_469 = arith.addi %add3A_468, %iota3A : vector<16xi32>
        %eq3A_470 = arith.cmpi eq, %add3A_469, %gather3A_33 : vector<16xi32>
        %jit3A_471 = arith.constant 0.000000e+00 : f32
        %broadcast_in_dim3A_472 = vector.broadcast %jit3A_471 : f32 to vector<16xf32>
        %select_n3A_473 = arith.select %eq3A_470, %get3A_465, %broadcast_in_dim3A_472 : vector<16xi1>, vector<16xf32>
        %add3A_474 = arith.addf %scan3A_458, %select_n3A_473 : vector<16xf32>
        %eq3A_475 = arith.cmpi eq, %add3A_469, %gather3A_37 : vector<16xi32>
        %jit3A_476 = arith.constant 0.000000e+00 : f32
        %broadcast_in_dim3A_477 = vector.broadcast %jit3A_476 : f32 to vector<16xf32>
        %select_n3A_478 = arith.select %eq3A_475, %get3A_465, %broadcast_in_dim3A_477 : vector<16xi1>, vector<16xf32>
        %add3A_479 = arith.addf %add3A_474, %select_n3A_478 : vector<16xf32>
        %exp3A_480 = math.exp %get3A_465 : vector<16xf32>
        %add3A_481 = arith.addf %scan3A_457, %exp3A_480 : vector<16xf32>
        scf.yield %add3A_481, %add3A_479 : vector<16xf32>, vector<16xf32>
      }
      %scan3A_45 = arith.constant 62 : i32
      %get3A_46 = arith.constant 0 : i32
      %get3A_47 = arith.index_cast %get3A_46 : i32 to index
      %get3A_48 = arith.constant 984 : index
      %get3A_49 = tpu.vector_load %arg6[%get3A_47, %get3A_48] {strides = array<i32>} : memref<8x1000xf32, #tpu.memory_space<vmem>>, vector<1x16xf32>,
      %get3A_50 = vector.shape_cast %get3A_49 : vector<1x16xf32> to vector<16xf32>
      %add3A_51 = arith.constant 984 : i32
      %add3A_52 = vector.broadcast %add3A_51 : i32 to vector<16xi32>
      %add3A_53 = arith.addi %add3A_52, %iota3A : vector<16xi32>
      %ge3A = arith.constant 8 : i32
      %ge3A_54 = vector.broadcast %ge3A : i32 to vector<16xi32>
      %ge3A_55 = arith.cmpi sge, %iota3A, %ge3A_54 : vector<16xi32>
      %exp3A = math.exp %get3A_50 : vector<16xf32>
      %jit3A = arith.constant 0.000000e+00 : f32
      %broadcast_in_dim3A_56 = vector.broadcast %jit3A : f32 to vector<16xf32>
      %select_n3A = arith.select %ge3A_55, %exp3A, %broadcast_in_dim3A_56 : vector<16xi1>, vector<16xf32>
      %add3A_57 = arith.addf %scan3A_44#0, %select_n3A : vector<16xf32>
      %eq3A = arith.cmpi eq, %add3A_53, %gather3A_33 : vector<16xi32>
      %and3A = arith.andi %ge3A_55, %eq3A : vector<16xi1>
      %jit3A_58 = arith.constant 0.000000e+00 : f32
      %broadcast_in_dim3A_59 = vector.broadcast %jit3A_58 : f32 to vector<16xf32>
      %select_n3A_60 = arith.select %and3A, %get3A_50, %broadcast_in_dim3A_59 : vector<16xi1>, vector<16xf32>
      %add3A_61 = arith.addf %scan3A_44#1, %select_n3A_60 : vector<16xf32>
      %eq3A_62 = arith.cmpi eq, %add3A_53, %gather3A_37 : vector<16xi32>
      %and3A_63 = arith.andi %ge3A_55, %eq3A_62 : vector<16xi1>
      %jit3A_64 = arith.constant 0.000000e+00 : f32
      %broadcast_in_dim3A_65 = vector.broadcast %jit3A_64 : f32 to vector<16xf32>
      %select_n3A_66 = arith.select %and3A_63, %get3A_50, %broadcast_in_dim3A_65 : vector<16xi1>, vector<16xf32>
      %add3A_67 = arith.addf %add3A_61, %select_n3A_66 : vector<16xf32>
      %mul3A_68 = arith.constant 8 : i32
      %mul3A_69 = arith.muli %scan3A_22, %mul3A_68 : i32
      %add3A_70 = arith.constant 0 : i32
      %add3A_71 = arith.addi %mul3A_69, %add3A_70 : i32
      %mul3A_72 = arith.constant 16 : i32
      %mul3A_73 = arith.muli %add3A_71, %mul3A_72 : i32
      %swap3A_74 = arith.index_cast %mul3A_73 : i32 to index
      %swap3A_75 = tpu.vector_load %arg8[%swap3A_74] {strides = array<i32>} : memref<512xf32, #tpu.memory_space<vmem>>, vector<16xf32>,
      %swap3A_76 = vector.shape_cast %swap3A_75 : vector<16xf32> to vector<16xf32>
      %swap3A_77 = vector.shape_cast %add3A_57 : vector<16xf32> to vector<16xf32>
      tpu.vector_store %arg8[%swap3A_74], %swap3A_77 {strides = array<i32>} : memref<512xf32, #tpu.memory_space<vmem>>, vector<16xf32>,
      %broadcast_in_dim3A_78 = arith.constant 2 : i32
      %broadcast_in_dim3A_79 = vector.broadcast %broadcast_in_dim3A_78 : i32 to vector<16x1xi32>
      %gather3A_80 = vector.shape_cast %broadcast_in_dim3A_79 : vector<16x1xi32> to vector<16xi32>
      %gather3A_81 = tpu.dynamic_gather %get3A_30[%gather3A_80] in [0] : vector<16xi32>, vector<16xi32> -> vector<16xi32>
      %broadcast_in_dim3A_82 = arith.constant 3 : i32
      %broadcast_in_dim3A_83 = vector.broadcast %broadcast_in_dim3A_82 : i32 to vector<16x1xi32>
      %gather3A_84 = vector.shape_cast %broadcast_in_dim3A_83 : vector<16x1xi32> to vector<16xi32>
      %gather3A_85 = tpu.dynamic_gather %get3A_30[%gather3A_84] in [0] : vector<16xi32>, vector<16xi32> -> vector<16xi32>
      %broadcast_in_dim3A_86 = arith.constant 0.000000e+00 : f32
      %broadcast_in_dim3A_87 = vector.broadcast %broadcast_in_dim3A_86 : f32 to vector<16xf32>
      %scan3A_88 = arith.constant 0 : i32
      %scan3A_89 = arith.constant 62 : i32
      %scan3A_90 = arith.addi %scan3A_88, %scan3A_89 : i32
      %scan3A_91 = arith.constant 1 : i32
      %scan3A_92:2 = scf.for %scan3A_456 = %scan3A_88 to %scan3A_90 step %scan3A_91 iter_args(%scan3A_457 = %broadcast_in_dim3A_87, %scan3A_458 = %add3A_67) -> (vector<16xf32>, vector<16xf32>)  : i32 {
        %mul3A_459 = arith.constant 16 : i32
        %mul3A_460 = arith.muli %scan3A_456, %mul3A_459 : i32
        %get3A_461 = arith.constant 1 : i32
        %get3A_462 = arith.index_cast %get3A_461 : i32 to index
        %get3A_463 = arith.index_cast %mul3A_460 : i32 to index
        %get3A_464 = tpu.vector_load %arg6[%get3A_462, %get3A_463] {strides = array<i32>} : memref<8x1000xf32, #tpu.memory_space<vmem>>, vector<1x16xf32>,
        %get3A_465 = vector.shape_cast %get3A_464 : vector<1x16xf32> to vector<16xf32>
        %mul3A_466 = arith.constant 16 : i32
        %mul3A_467 = arith.muli %scan3A_456, %mul3A_466 : i32
        %add3A_468 = vector.broadcast %mul3A_467 : i32 to vector<16xi32>
        %add3A_469 = arith.addi %add3A_468, %iota3A : vector<16xi32>
        %eq3A_470 = arith.cmpi eq, %add3A_469, %gather3A_81 : vector<16xi32>
        %jit3A_471 = arith.constant 0.000000e+00 : f32
        %broadcast_in_dim3A_472 = vector.broadcast %jit3A_471 : f32 to vector<16xf32>
        %select_n3A_473 = arith.select %eq3A_470, %get3A_465, %broadcast_in_dim3A_472 : vector<16xi1>, vector<16xf32>
        %add3A_474 = arith.addf %scan3A_458, %select_n3A_473 : vector<16xf32>
        %eq3A_475 = arith.cmpi eq, %add3A_469, %gather3A_85 : vector<16xi32>
        %jit3A_476 = arith.constant 0.000000e+00 : f32
        %broadcast_in_dim3A_477 = vector.broadcast %jit3A_476 : f32 to vector<16xf32>
        %select_n3A_478 = arith.select %eq3A_475, %get3A_465, %broadcast_in_dim3A_477 : vector<16xi1>, vector<16xf32>
        %add3A_479 = arith.addf %add3A_474, %select_n3A_478 : vector<16xf32>
        %exp3A_480 = math.exp %get3A_465 : vector<16xf32>
        %add3A_481 = arith.addf %scan3A_457, %exp3A_480 : vector<16xf32>
        scf.yield %add3A_481, %add3A_479 : vector<16xf32>, vector<16xf32>
      }
      %scan3A_93 = arith.constant 62 : i32
      %get3A_94 = arith.constant 1 : i32
      %get3A_95 = arith.index_cast %get3A_94 : i32 to index
      %get3A_96 = arith.constant 984 : index
      %get3A_97 = tpu.vector_load %arg6[%get3A_95, %get3A_96] {strides = array<i32>} : memref<8x1000xf32, #tpu.memory_space<vmem>>, vector<1x16xf32>,
      %get3A_98 = vector.shape_cast %get3A_97 : vector<1x16xf32> to vector<16xf32>
      %add3A_99 = arith.constant 984 : i32
      %add3A_100 = vector.broadcast %add3A_99 : i32 to vector<16xi32>
      %add3A_101 = arith.addi %add3A_100, %iota3A : vector<16xi32>
      %ge3A_102 = arith.constant 8 : i32
      %ge3A_103 = vector.broadcast %ge3A_102 : i32 to vector<16xi32>
      %ge3A_104 = arith.cmpi sge, %iota3A, %ge3A_103 : vector<16xi32>
      %exp3A_105 = math.exp %get3A_98 : vector<16xf32>
      %jit3A_106 = arith.constant 0.000000e+00 : f32
      %broadcast_in_dim3A_107 = vector.broadcast %jit3A_106 : f32 to vector<16xf32>
      %select_n3A_108 = arith.select %ge3A_104, %exp3A_105, %broadcast_in_dim3A_107 : vector<16xi1>, vector<16xf32>
      %add3A_109 = arith.addf %scan3A_92#0, %select_n3A_108 : vector<16xf32>
      %eq3A_110 = arith.cmpi eq, %add3A_101, %gather3A_81 : vector<16xi32>
      %and3A_111 = arith.andi %ge3A_104, %eq3A_110 : vector<16xi1>
      %jit3A_112 = arith.constant 0.000000e+00 : f32
      %broadcast_in_dim3A_113 = vector.broadcast %jit3A_112 : f32 to vector<16xf32>
      %select_n3A_114 = arith.select %and3A_111, %get3A_98, %broadcast_in_dim3A_113 : vector<16xi1>, vector<16xf32>
      %add3A_115 = arith.addf %scan3A_92#1, %select_n3A_114 : vector<16xf32>
      %eq3A_116 = arith.cmpi eq, %add3A_101, %gather3A_85 : vector<16xi32>
      %and3A_117 = arith.andi %ge3A_104, %eq3A_116 : vector<16xi1>
      %jit3A_118 = arith.constant 0.000000e+00 : f32
      %broadcast_in_dim3A_119 = vector.broadcast %jit3A_118 : f32 to vector<16xf32>
      %select_n3A_120 = arith.select %and3A_117, %get3A_98, %broadcast_in_dim3A_119 : vector<16xi1>, vector<16xf32>
      %add3A_121 = arith.addf %add3A_115, %select_n3A_120 : vector<16xf32>
      %mul3A_122 = arith.constant 8 : i32
      %mul3A_123 = arith.muli %scan3A_22, %mul3A_122 : i32
      %add3A_124 = arith.constant 1 : i32
      %add3A_125 = arith.addi %mul3A_123, %add3A_124 : i32
      %mul3A_126 = arith.constant 16 : i32
      %mul3A_127 = arith.muli %add3A_125, %mul3A_126 : i32
      %swap3A_128 = arith.index_cast %mul3A_127 : i32 to index
      %swap3A_129 = tpu.vector_load %arg8[%swap3A_128] {strides = array<i32>} : memref<512xf32, #tpu.memory_space<vmem>>, vector<16xf32>,
      %swap3A_130 = vector.shape_cast %swap3A_129 : vector<16xf32> to vector<16xf32>
      %swap3A_131 = vector.shape_cast %add3A_109 : vector<16xf32> to vector<16xf32>
      tpu.vector_store %arg8[%swap3A_128], %swap3A_131 {strides = array<i32>} : memref<512xf32, #tpu.memory_space<vmem>>, vector<16xf32>,
      %broadcast_in_dim3A_132 = arith.constant 4 : i32
      %broadcast_in_dim3A_133 = vector.broadcast %broadcast_in_dim3A_132 : i32 to vector<16x1xi32>
      %gather3A_134 = vector.shape_cast %broadcast_in_dim3A_133 : vector<16x1xi32> to vector<16xi32>
      %gather3A_135 = tpu.dynamic_gather %get3A_30[%gather3A_134] in [0] : vector<16xi32>, vector<16xi32> -> vector<16xi32>
      %broadcast_in_dim3A_136 = arith.constant 5 : i32
      %broadcast_in_dim3A_137 = vector.broadcast %broadcast_in_dim3A_136 : i32 to vector<16x1xi32>
      %gather3A_138 = vector.shape_cast %broadcast_in_dim3A_137 : vector<16x1xi32> to vector<16xi32>
      %gather3A_139 = tpu.dynamic_gather %get3A_30[%gather3A_138] in [0] : vector<16xi32>, vector<16xi32> -> vector<16xi32>
      %broadcast_in_dim3A_140 = arith.constant 0.000000e+00 : f32
      %broadcast_in_dim3A_141 = vector.broadcast %broadcast_in_dim3A_140 : f32 to vector<16xf32>
      %scan3A_142 = arith.constant 0 : i32
      %scan3A_143 = arith.constant 62 : i32
      %scan3A_144 = arith.addi %scan3A_142, %scan3A_143 : i32
      %scan3A_145 = arith.constant 1 : i32
      %scan3A_146:2 = scf.for %scan3A_456 = %scan3A_142 to %scan3A_144 step %scan3A_145 iter_args(%scan3A_457 = %broadcast_in_dim3A_141, %scan3A_458 = %add3A_121) -> (vector<16xf32>, vector<16xf32>)  : i32 {
        %mul3A_459 = arith.constant 16 : i32
        %mul3A_460 = arith.muli %scan3A_456, %mul3A_459 : i32
        %get3A_461 = arith.constant 2 : i32
        %get3A_462 = arith.index_cast %get3A_461 : i32 to index
        %get3A_463 = arith.index_cast %mul3A_460 : i32 to index
        %get3A_464 = tpu.vector_load %arg6[%get3A_462, %get3A_463] {strides = array<i32>} : memref<8x1000xf32, #tpu.memory_space<vmem>>, vector<1x16xf32>,
        %get3A_465 = vector.shape_cast %get3A_464 : vector<1x16xf32> to vector<16xf32>
        %mul3A_466 = arith.constant 16 : i32
        %mul3A_467 = arith.muli %scan3A_456, %mul3A_466 : i32
        %add3A_468 = vector.broadcast %mul3A_467 : i32 to vector<16xi32>
        %add3A_469 = arith.addi %add3A_468, %iota3A : vector<16xi32>
        %eq3A_470 = arith.cmpi eq, %add3A_469, %gather3A_135 : vector<16xi32>
        %jit3A_471 = arith.constant 0.000000e+00 : f32
        %broadcast_in_dim3A_472 = vector.broadcast %jit3A_471 : f32 to vector<16xf32>
        %select_n3A_473 = arith.select %eq3A_470, %get3A_465, %broadcast_in_dim3A_472 : vector<16xi1>, vector<16xf32>
        %add3A_474 = arith.addf %scan3A_458, %select_n3A_473 : vector<16xf32>
        %eq3A_475 = arith.cmpi eq, %add3A_469, %gather3A_139 : vector<16xi32>
        %jit3A_476 = arith.constant 0.000000e+00 : f32
        %broadcast_in_dim3A_477 = vector.broadcast %jit3A_476 : f32 to vector<16xf32>
        %select_n3A_478 = arith.select %eq3A_475, %get3A_465, %broadcast_in_dim3A_477 : vector<16xi1>, vector<16xf32>
        %add3A_479 = arith.addf %add3A_474, %select_n3A_478 : vector<16xf32>
        %exp3A_480 = math.exp %get3A_465 : vector<16xf32>
        %add3A_481 = arith.addf %scan3A_457, %exp3A_480 : vector<16xf32>
        scf.yield %add3A_481, %add3A_479 : vector<16xf32>, vector<16xf32>
      }
      %scan3A_147 = arith.constant 62 : i32
      %get3A_148 = arith.constant 2 : i32
      %get3A_149 = arith.index_cast %get3A_148 : i32 to index
      %get3A_150 = arith.constant 984 : index
      %get3A_151 = tpu.vector_load %arg6[%get3A_149, %get3A_150] {strides = array<i32>} : memref<8x1000xf32, #tpu.memory_space<vmem>>, vector<1x16xf32>,
      %get3A_152 = vector.shape_cast %get3A_151 : vector<1x16xf32> to vector<16xf32>
      %add3A_153 = arith.constant 984 : i32
      %add3A_154 = vector.broadcast %add3A_153 : i32 to vector<16xi32>
      %add3A_155 = arith.addi %add3A_154, %iota3A : vector<16xi32>
      %ge3A_156 = arith.constant 8 : i32
      %ge3A_157 = vector.broadcast %ge3A_156 : i32 to vector<16xi32>
      %ge3A_158 = arith.cmpi sge, %iota3A, %ge3A_157 : vector<16xi32>
      %exp3A_159 = math.exp %get3A_152 : vector<16xf32>
      %jit3A_160 = arith.constant 0.000000e+00 : f32
      %broadcast_in_dim3A_161 = vector.broadcast %jit3A_160 : f32 to vector<16xf32>
      %select_n3A_162 = arith.select %ge3A_158, %exp3A_159, %broadcast_in_dim3A_161 : vector<16xi1>, vector<16xf32>
      %add3A_163 = arith.addf %scan3A_146#0, %select_n3A_162 : vector<16xf32>
      %eq3A_164 = arith.cmpi eq, %add3A_155, %gather3A_135 : vector<16xi32>
      %and3A_165 = arith.andi %ge3A_158, %eq3A_164 : vector<16xi1>
      %jit3A_166 = arith.constant 0.000000e+00 : f32
      %broadcast_in_dim3A_167 = vector.broadcast %jit3A_166 : f32 to vector<16xf32>
      %select_n3A_168 = arith.select %and3A_165, %get3A_152, %broadcast_in_dim3A_167 : vector<16xi1>, vector<16xf32>
      %add3A_169 = arith.addf %scan3A_146#1, %select_n3A_168 : vector<16xf32>
      %eq3A_170 = arith.cmpi eq, %add3A_155, %gather3A_139 : vector<16xi32>
      %and3A_171 = arith.andi %ge3A_158, %eq3A_170 : vector<16xi1>
      %jit3A_172 = arith.constant 0.000000e+00 : f32
      %broadcast_in_dim3A_173 = vector.broadcast %jit3A_172 : f32 to vector<16xf32>
      %select_n3A_174 = arith.select %and3A_171, %get3A_152, %broadcast_in_dim3A_173 : vector<16xi1>, vector<16xf32>
      %add3A_175 = arith.addf %add3A_169, %select_n3A_174 : vector<16xf32>
      %mul3A_176 = arith.constant 8 : i32
      %mul3A_177 = arith.muli %scan3A_22, %mul3A_176 : i32
      %add3A_178 = arith.constant 2 : i32
      %add3A_179 = arith.addi %mul3A_177, %add3A_178 : i32
      %mul3A_180 = arith.constant 16 : i32
      %mul3A_181 = arith.muli %add3A_179, %mul3A_180 : i32
      %swap3A_182 = arith.index_cast %mul3A_181 : i32 to index
      %swap3A_183 = tpu.vector_load %arg8[%swap3A_182] {strides = array<i32>} : memref<512xf32, #tpu.memory_space<vmem>>, vector<16xf32>,
      %swap3A_184 = vector.shape_cast %swap3A_183 : vector<16xf32> to vector<16xf32>
      %swap3A_185 = vector.shape_cast %add3A_163 : vector<16xf32> to vector<16xf32>
      tpu.vector_store %arg8[%swap3A_182], %swap3A_185 {strides = array<i32>} : memref<512xf32, #tpu.memory_space<vmem>>, vector<16xf32>,
      %broadcast_in_dim3A_186 = arith.constant 6 : i32
      %broadcast_in_dim3A_187 = vector.broadcast %broadcast_in_dim3A_186 : i32 to vector<16x1xi32>
      %gather3A_188 = vector.shape_cast %broadcast_in_dim3A_187 : vector<16x1xi32> to vector<16xi32>
      %gather3A_189 = tpu.dynamic_gather %get3A_30[%gather3A_188] in [0] : vector<16xi32>, vector<16xi32> -> vector<16xi32>
      %broadcast_in_dim3A_190 = arith.constant 7 : i32
      %broadcast_in_dim3A_191 = vector.broadcast %broadcast_in_dim3A_190 : i32 to vector<16x1xi32>
      %gather3A_192 = vector.shape_cast %broadcast_in_dim3A_191 : vector<16x1xi32> to vector<16xi32>
      %gather3A_193 = tpu.dynamic_gather %get3A_30[%gather3A_192] in [0] : vector<16xi32>, vector<16xi32> -> vector<16xi32>
      %broadcast_in_dim3A_194 = arith.constant 0.000000e+00 : f32
      %broadcast_in_dim3A_195 = vector.broadcast %broadcast_in_dim3A_194 : f32 to vector<16xf32>
      %scan3A_196 = arith.constant 0 : i32
      %scan3A_197 = arith.constant 62 : i32
      %scan3A_198 = arith.addi %scan3A_196, %scan3A_197 : i32
      %scan3A_199 = arith.constant 1 : i32
      %scan3A_200:2 = scf.for %scan3A_456 = %scan3A_196 to %scan3A_198 step %scan3A_199 iter_args(%scan3A_457 = %broadcast_in_dim3A_195, %scan3A_458 = %add3A_175) -> (vector<16xf32>, vector<16xf32>)  : i32 {
        %mul3A_459 = arith.constant 16 : i32
        %mul3A_460 = arith.muli %scan3A_456, %mul3A_459 : i32
        %get3A_461 = arith.constant 3 : i32
        %get3A_462 = arith.index_cast %get3A_461 : i32 to index
        %get3A_463 = arith.index_cast %mul3A_460 : i32 to index
        %get3A_464 = tpu.vector_load %arg6[%get3A_462, %get3A_463] {strides = array<i32>} : memref<8x1000xf32, #tpu.memory_space<vmem>>, vector<1x16xf32>,
        %get3A_465 = vector.shape_cast %get3A_464 : vector<1x16xf32> to vector<16xf32>
        %mul3A_466 = arith.constant 16 : i32
        %mul3A_467 = arith.muli %scan3A_456, %mul3A_466 : i32
        %add3A_468 = vector.broadcast %mul3A_467 : i32 to vector<16xi32>
        %add3A_469 = arith.addi %add3A_468, %iota3A : vector<16xi32>
        %eq3A_470 = arith.cmpi eq, %add3A_469, %gather3A_189 : vector<16xi32>
        %jit3A_471 = arith.constant 0.000000e+00 : f32
        %broadcast_in_dim3A_472 = vector.broadcast %jit3A_471 : f32 to vector<16xf32>
        %select_n3A_473 = arith.select %eq3A_470, %get3A_465, %broadcast_in_dim3A_472 : vector<16xi1>, vector<16xf32>
        %add3A_474 = arith.addf %scan3A_458, %select_n3A_473 : vector<16xf32>
        %eq3A_475 = arith.cmpi eq, %add3A_469, %gather3A_193 : vector<16xi32>
        %jit3A_476 = arith.constant 0.000000e+00 : f32
        %broadcast_in_dim3A_477 = vector.broadcast %jit3A_476 : f32 to vector<16xf32>
        %select_n3A_478 = arith.select %eq3A_475, %get3A_465, %broadcast_in_dim3A_477 : vector<16xi1>, vector<16xf32>
        %add3A_479 = arith.addf %add3A_474, %select_n3A_478 : vector<16xf32>
        %exp3A_480 = math.exp %get3A_465 : vector<16xf32>
        %add3A_481 = arith.addf %scan3A_457, %exp3A_480 : vector<16xf32>
        scf.yield %add3A_481, %add3A_479 : vector<16xf32>, vector<16xf32>
      }
      %scan3A_201 = arith.constant 62 : i32
      %get3A_202 = arith.constant 3 : i32
      %get3A_203 = arith.index_cast %get3A_202 : i32 to index
      %get3A_204 = arith.constant 984 : index
      %get3A_205 = tpu.vector_load %arg6[%get3A_203, %get3A_204] {strides = array<i32>} : memref<8x1000xf32, #tpu.memory_space<vmem>>, vector<1x16xf32>,
      %get3A_206 = vector.shape_cast %get3A_205 : vector<1x16xf32> to vector<16xf32>
      %add3A_207 = arith.constant 984 : i32
      %add3A_208 = vector.broadcast %add3A_207 : i32 to vector<16xi32>
      %add3A_209 = arith.addi %add3A_208, %iota3A : vector<16xi32>
      %ge3A_210 = arith.constant 8 : i32
      %ge3A_211 = vector.broadcast %ge3A_210 : i32 to vector<16xi32>
      %ge3A_212 = arith.cmpi sge, %iota3A, %ge3A_211 : vector<16xi32>
      %exp3A_213 = math.exp %get3A_206 : vector<16xf32>
      %jit3A_214 = arith.constant 0.000000e+00 : f32
      %broadcast_in_dim3A_215 = vector.broadcast %jit3A_214 : f32 to vector<16xf32>
      %select_n3A_216 = arith.select %ge3A_212, %exp3A_213, %broadcast_in_dim3A_215 : vector<16xi1>, vector<16xf32>
      %add3A_217 = arith.addf %scan3A_200#0, %select_n3A_216 : vector<16xf32>
      %eq3A_218 = arith.cmpi eq, %add3A_209, %gather3A_189 : vector<16xi32>
      %and3A_219 = arith.andi %ge3A_212, %eq3A_218 : vector<16xi1>
      %jit3A_220 = arith.constant 0.000000e+00 : f32
      %broadcast_in_dim3A_221 = vector.broadcast %jit3A_220 : f32 to vector<16xf32>
      %select_n3A_222 = arith.select %and3A_219, %get3A_206, %broadcast_in_dim3A_221 : vector<16xi1>, vector<16xf32>
      %add3A_223 = arith.addf %scan3A_200#1, %select_n3A_222 : vector<16xf32>
      %eq3A_224 = arith.cmpi eq, %add3A_209, %gather3A_193 : vector<16xi32>
      %and3A_225 = arith.andi %ge3A_212, %eq3A_224 : vector<16xi1>
      %jit3A_226 = arith.constant 0.000000e+00 : f32
      %broadcast_in_dim3A_227 = vector.broadcast %jit3A_226 : f32 to vector<16xf32>
      %select_n3A_228 = arith.select %and3A_225, %get3A_206, %broadcast_in_dim3A_227 : vector<16xi1>, vector<16xf32>
      %add3A_229 = arith.addf %add3A_223, %select_n3A_228 : vector<16xf32>
      %mul3A_230 = arith.constant 8 : i32
      %mul3A_231 = arith.muli %scan3A_22, %mul3A_230 : i32
      %add3A_232 = arith.constant 3 : i32
      %add3A_233 = arith.addi %mul3A_231, %add3A_232 : i32
      %mul3A_234 = arith.constant 16 : i32
      %mul3A_235 = arith.muli %add3A_233, %mul3A_234 : i32
      %swap3A_236 = arith.index_cast %mul3A_235 : i32 to index
      %swap3A_237 = tpu.vector_load %arg8[%swap3A_236] {strides = array<i32>} : memref<512xf32, #tpu.memory_space<vmem>>, vector<16xf32>,
      %swap3A_238 = vector.shape_cast %swap3A_237 : vector<16xf32> to vector<16xf32>
      %swap3A_239 = vector.shape_cast %add3A_217 : vector<16xf32> to vector<16xf32>
      tpu.vector_store %arg8[%swap3A_236], %swap3A_239 {strides = array<i32>} : memref<512xf32, #tpu.memory_space<vmem>>, vector<16xf32>,
      %broadcast_in_dim3A_240 = arith.constant 8 : i32
      %broadcast_in_dim3A_241 = vector.broadcast %broadcast_in_dim3A_240 : i32 to vector<16x1xi32>
      %gather3A_242 = vector.shape_cast %broadcast_in_dim3A_241 : vector<16x1xi32> to vector<16xi32>
      %gather3A_243 = tpu.dynamic_gather %get3A_30[%gather3A_242] in [0] : vector<16xi32>, vector<16xi32> -> vector<16xi32>
      %broadcast_in_dim3A_244 = arith.constant 9 : i32
      %broadcast_in_dim3A_245 = vector.broadcast %broadcast_in_dim3A_244 : i32 to vector<16x1xi32>
      %gather3A_246 = vector.shape_cast %broadcast_in_dim3A_245 : vector<16x1xi32> to vector<16xi32>
      %gather3A_247 = tpu.dynamic_gather %get3A_30[%gather3A_246] in [0] : vector<16xi32>, vector<16xi32> -> vector<16xi32>
      %broadcast_in_dim3A_248 = arith.constant 0.000000e+00 : f32
      %broadcast_in_dim3A_249 = vector.broadcast %broadcast_in_dim3A_248 : f32 to vector<16xf32>
      %scan3A_250 = arith.constant 0 : i32
      %scan3A_251 = arith.constant 62 : i32
      %scan3A_252 = arith.addi %scan3A_250, %scan3A_251 : i32
      %scan3A_253 = arith.constant 1 : i32
      %scan3A_254:2 = scf.for %scan3A_456 = %scan3A_250 to %scan3A_252 step %scan3A_253 iter_args(%scan3A_457 = %broadcast_in_dim3A_249, %scan3A_458 = %add3A_229) -> (vector<16xf32>, vector<16xf32>)  : i32 {
        %mul3A_459 = arith.constant 16 : i32
        %mul3A_460 = arith.muli %scan3A_456, %mul3A_459 : i32
        %get3A_461 = arith.constant 4 : i32
        %get3A_462 = arith.index_cast %get3A_461 : i32 to index
        %get3A_463 = arith.index_cast %mul3A_460 : i32 to index
        %get3A_464 = tpu.vector_load %arg6[%get3A_462, %get3A_463] {strides = array<i32>} : memref<8x1000xf32, #tpu.memory_space<vmem>>, vector<1x16xf32>,
        %get3A_465 = vector.shape_cast %get3A_464 : vector<1x16xf32> to vector<16xf32>
        %mul3A_466 = arith.constant 16 : i32
        %mul3A_467 = arith.muli %scan3A_456, %mul3A_466 : i32
        %add3A_468 = vector.broadcast %mul3A_467 : i32 to vector<16xi32>
        %add3A_469 = arith.addi %add3A_468, %iota3A : vector<16xi32>
        %eq3A_470 = arith.cmpi eq, %add3A_469, %gather3A_243 : vector<16xi32>
        %jit3A_471 = arith.constant 0.000000e+00 : f32
        %broadcast_in_dim3A_472 = vector.broadcast %jit3A_471 : f32 to vector<16xf32>
        %select_n3A_473 = arith.select %eq3A_470, %get3A_465, %broadcast_in_dim3A_472 : vector<16xi1>, vector<16xf32>
        %add3A_474 = arith.addf %scan3A_458, %select_n3A_473 : vector<16xf32>
        %eq3A_475 = arith.cmpi eq, %add3A_469, %gather3A_247 : vector<16xi32>
        %jit3A_476 = arith.constant 0.000000e+00 : f32
        %broadcast_in_dim3A_477 = vector.broadcast %jit3A_476 : f32 to vector<16xf32>
        %select_n3A_478 = arith.select %eq3A_475, %get3A_465, %broadcast_in_dim3A_477 : vector<16xi1>, vector<16xf32>
        %add3A_479 = arith.addf %add3A_474, %select_n3A_478 : vector<16xf32>
        %exp3A_480 = math.exp %get3A_465 : vector<16xf32>
        %add3A_481 = arith.addf %scan3A_457, %exp3A_480 : vector<16xf32>
        scf.yield %add3A_481, %add3A_479 : vector<16xf32>, vector<16xf32>
      }
      %scan3A_255 = arith.constant 62 : i32
      %get3A_256 = arith.constant 4 : i32
      %get3A_257 = arith.index_cast %get3A_256 : i32 to index
      %get3A_258 = arith.constant 984 : index
      %get3A_259 = tpu.vector_load %arg6[%get3A_257, %get3A_258] {strides = array<i32>} : memref<8x1000xf32, #tpu.memory_space<vmem>>, vector<1x16xf32>,
      %get3A_260 = vector.shape_cast %get3A_259 : vector<1x16xf32> to vector<16xf32>
      %add3A_261 = arith.constant 984 : i32
      %add3A_262 = vector.broadcast %add3A_261 : i32 to vector<16xi32>
      %add3A_263 = arith.addi %add3A_262, %iota3A : vector<16xi32>
      %ge3A_264 = arith.constant 8 : i32
      %ge3A_265 = vector.broadcast %ge3A_264 : i32 to vector<16xi32>
      %ge3A_266 = arith.cmpi sge, %iota3A, %ge3A_265 : vector<16xi32>
      %exp3A_267 = math.exp %get3A_260 : vector<16xf32>
      %jit3A_268 = arith.constant 0.000000e+00 : f32
      %broadcast_in_dim3A_269 = vector.broadcast %jit3A_268 : f32 to vector<16xf32>
      %select_n3A_270 = arith.select %ge3A_266, %exp3A_267, %broadcast_in_dim3A_269 : vector<16xi1>, vector<16xf32>
      %add3A_271 = arith.addf %scan3A_254#0, %select_n3A_270 : vector<16xf32>
      %eq3A_272 = arith.cmpi eq, %add3A_263, %gather3A_243 : vector<16xi32>
      %and3A_273 = arith.andi %ge3A_266, %eq3A_272 : vector<16xi1>
      %jit3A_274 = arith.constant 0.000000e+00 : f32
      %broadcast_in_dim3A_275 = vector.broadcast %jit3A_274 : f32 to vector<16xf32>
      %select_n3A_276 = arith.select %and3A_273, %get3A_260, %broadcast_in_dim3A_275 : vector<16xi1>, vector<16xf32>
      %add3A_277 = arith.addf %scan3A_254#1, %select_n3A_276 : vector<16xf32>
      %eq3A_278 = arith.cmpi eq, %add3A_263, %gather3A_247 : vector<16xi32>
      %and3A_279 = arith.andi %ge3A_266, %eq3A_278 : vector<16xi1>
      %jit3A_280 = arith.constant 0.000000e+00 : f32
      %broadcast_in_dim3A_281 = vector.broadcast %jit3A_280 : f32 to vector<16xf32>
      %select_n3A_282 = arith.select %and3A_279, %get3A_260, %broadcast_in_dim3A_281 : vector<16xi1>, vector<16xf32>
      %add3A_283 = arith.addf %add3A_277, %select_n3A_282 : vector<16xf32>
      %mul3A_284 = arith.constant 8 : i32
      %mul3A_285 = arith.muli %scan3A_22, %mul3A_284 : i32
      %add3A_286 = arith.constant 4 : i32
      %add3A_287 = arith.addi %mul3A_285, %add3A_286 : i32
      %mul3A_288 = arith.constant 16 : i32
      %mul3A_289 = arith.muli %add3A_287, %mul3A_288 : i32
      %swap3A_290 = arith.index_cast %mul3A_289 : i32 to index
      %swap3A_291 = tpu.vector_load %arg8[%swap3A_290] {strides = array<i32>} : memref<512xf32, #tpu.memory_space<vmem>>, vector<16xf32>,
      %swap3A_292 = vector.shape_cast %swap3A_291 : vector<16xf32> to vector<16xf32>
      %swap3A_293 = vector.shape_cast %add3A_271 : vector<16xf32> to vector<16xf32>
      tpu.vector_store %arg8[%swap3A_290], %swap3A_293 {strides = array<i32>} : memref<512xf32, #tpu.memory_space<vmem>>, vector<16xf32>,
      %broadcast_in_dim3A_294 = arith.constant 10 : i32
      %broadcast_in_dim3A_295 = vector.broadcast %broadcast_in_dim3A_294 : i32 to vector<16x1xi32>
      %gather3A_296 = vector.shape_cast %broadcast_in_dim3A_295 : vector<16x1xi32> to vector<16xi32>
      %gather3A_297 = tpu.dynamic_gather %get3A_30[%gather3A_296] in [0] : vector<16xi32>, vector<16xi32> -> vector<16xi32>
      %broadcast_in_dim3A_298 = arith.constant 11 : i32
      %broadcast_in_dim3A_299 = vector.broadcast %broadcast_in_dim3A_298 : i32 to vector<16x1xi32>
      %gather3A_300 = vector.shape_cast %broadcast_in_dim3A_299 : vector<16x1xi32> to vector<16xi32>
      %gather3A_301 = tpu.dynamic_gather %get3A_30[%gather3A_300] in [0] : vector<16xi32>, vector<16xi32> -> vector<16xi32>
      %broadcast_in_dim3A_302 = arith.constant 0.000000e+00 : f32
      %broadcast_in_dim3A_303 = vector.broadcast %broadcast_in_dim3A_302 : f32 to vector<16xf32>
      %scan3A_304 = arith.constant 0 : i32
      %scan3A_305 = arith.constant 62 : i32
      %scan3A_306 = arith.addi %scan3A_304, %scan3A_305 : i32
      %scan3A_307 = arith.constant 1 : i32
      %scan3A_308:2 = scf.for %scan3A_456 = %scan3A_304 to %scan3A_306 step %scan3A_307 iter_args(%scan3A_457 = %broadcast_in_dim3A_303, %scan3A_458 = %add3A_283) -> (vector<16xf32>, vector<16xf32>)  : i32 {
        %mul3A_459 = arith.constant 16 : i32
        %mul3A_460 = arith.muli %scan3A_456, %mul3A_459 : i32
        %get3A_461 = arith.constant 5 : i32
        %get3A_462 = arith.index_cast %get3A_461 : i32 to index
        %get3A_463 = arith.index_cast %mul3A_460 : i32 to index
        %get3A_464 = tpu.vector_load %arg6[%get3A_462, %get3A_463] {strides = array<i32>} : memref<8x1000xf32, #tpu.memory_space<vmem>>, vector<1x16xf32>,
        %get3A_465 = vector.shape_cast %get3A_464 : vector<1x16xf32> to vector<16xf32>
        %mul3A_466 = arith.constant 16 : i32
        %mul3A_467 = arith.muli %scan3A_456, %mul3A_466 : i32
        %add3A_468 = vector.broadcast %mul3A_467 : i32 to vector<16xi32>
        %add3A_469 = arith.addi %add3A_468, %iota3A : vector<16xi32>
        %eq3A_470 = arith.cmpi eq, %add3A_469, %gather3A_297 : vector<16xi32>
        %jit3A_471 = arith.constant 0.000000e+00 : f32
        %broadcast_in_dim3A_472 = vector.broadcast %jit3A_471 : f32 to vector<16xf32>
        %select_n3A_473 = arith.select %eq3A_470, %get3A_465, %broadcast_in_dim3A_472 : vector<16xi1>, vector<16xf32>
        %add3A_474 = arith.addf %scan3A_458, %select_n3A_473 : vector<16xf32>
        %eq3A_475 = arith.cmpi eq, %add3A_469, %gather3A_301 : vector<16xi32>
        %jit3A_476 = arith.constant 0.000000e+00 : f32
        %broadcast_in_dim3A_477 = vector.broadcast %jit3A_476 : f32 to vector<16xf32>
        %select_n3A_478 = arith.select %eq3A_475, %get3A_465, %broadcast_in_dim3A_477 : vector<16xi1>, vector<16xf32>
        %add3A_479 = arith.addf %add3A_474, %select_n3A_478 : vector<16xf32>
        %exp3A_480 = math.exp %get3A_465 : vector<16xf32>
        %add3A_481 = arith.addf %scan3A_457, %exp3A_480 : vector<16xf32>
        scf.yield %add3A_481, %add3A_479 : vector<16xf32>, vector<16xf32>
      }
      %scan3A_309 = arith.constant 62 : i32
      %get3A_310 = arith.constant 5 : i32
      %get3A_311 = arith.index_cast %get3A_310 : i32 to index
      %get3A_312 = arith.constant 984 : index
      %get3A_313 = tpu.vector_load %arg6[%get3A_311, %get3A_312] {strides = array<i32>} : memref<8x1000xf32, #tpu.memory_space<vmem>>, vector<1x16xf32>,
      %get3A_314 = vector.shape_cast %get3A_313 : vector<1x16xf32> to vector<16xf32>
      %add3A_315 = arith.constant 984 : i32
      %add3A_316 = vector.broadcast %add3A_315 : i32 to vector<16xi32>
      %add3A_317 = arith.addi %add3A_316, %iota3A : vector<16xi32>
      %ge3A_318 = arith.constant 8 : i32
      %ge3A_319 = vector.broadcast %ge3A_318 : i32 to vector<16xi32>
      %ge3A_320 = arith.cmpi sge, %iota3A, %ge3A_319 : vector<16xi32>
      %exp3A_321 = math.exp %get3A_314 : vector<16xf32>
      %jit3A_322 = arith.constant 0.000000e+00 : f32
      %broadcast_in_dim3A_323 = vector.broadcast %jit3A_322 : f32 to vector<16xf32>
      %select_n3A_324 = arith.select %ge3A_320, %exp3A_321, %broadcast_in_dim3A_323 : vector<16xi1>, vector<16xf32>
      %add3A_325 = arith.addf %scan3A_308#0, %select_n3A_324 : vector<16xf32>
      %eq3A_326 = arith.cmpi eq, %add3A_317, %gather3A_297 : vector<16xi32>
      %and3A_327 = arith.andi %ge3A_320, %eq3A_326 : vector<16xi1>
      %jit3A_328 = arith.constant 0.000000e+00 : f32
      %broadcast_in_dim3A_329 = vector.broadcast %jit3A_328 : f32 to vector<16xf32>
      %select_n3A_330 = arith.select %and3A_327, %get3A_314, %broadcast_in_dim3A_329 : vector<16xi1>, vector<16xf32>
      %add3A_331 = arith.addf %scan3A_308#1, %select_n3A_330 : vector<16xf32>
      %eq3A_332 = arith.cmpi eq, %add3A_317, %gather3A_301 : vector<16xi32>
      %and3A_333 = arith.andi %ge3A_320, %eq3A_332 : vector<16xi1>
      %jit3A_334 = arith.constant 0.000000e+00 : f32
      %broadcast_in_dim3A_335 = vector.broadcast %jit3A_334 : f32 to vector<16xf32>
      %select_n3A_336 = arith.select %and3A_333, %get3A_314, %broadcast_in_dim3A_335 : vector<16xi1>, vector<16xf32>
      %add3A_337 = arith.addf %add3A_331, %select_n3A_336 : vector<16xf32>
      %mul3A_338 = arith.constant 8 : i32
      %mul3A_339 = arith.muli %scan3A_22, %mul3A_338 : i32
      %add3A_340 = arith.constant 5 : i32
      %add3A_341 = arith.addi %mul3A_339, %add3A_340 : i32
      %mul3A_342 = arith.constant 16 : i32
      %mul3A_343 = arith.muli %add3A_341, %mul3A_342 : i32
      %swap3A_344 = arith.index_cast %mul3A_343 : i32 to index
      %swap3A_345 = tpu.vector_load %arg8[%swap3A_344] {strides = array<i32>} : memref<512xf32, #tpu.memory_space<vmem>>, vector<16xf32>,
      %swap3A_346 = vector.shape_cast %swap3A_345 : vector<16xf32> to vector<16xf32>
      %swap3A_347 = vector.shape_cast %add3A_325 : vector<16xf32> to vector<16xf32>
      tpu.vector_store %arg8[%swap3A_344], %swap3A_347 {strides = array<i32>} : memref<512xf32, #tpu.memory_space<vmem>>, vector<16xf32>,
      %broadcast_in_dim3A_348 = arith.constant 12 : i32
      %broadcast_in_dim3A_349 = vector.broadcast %broadcast_in_dim3A_348 : i32 to vector<16x1xi32>
      %gather3A_350 = vector.shape_cast %broadcast_in_dim3A_349 : vector<16x1xi32> to vector<16xi32>
      %gather3A_351 = tpu.dynamic_gather %get3A_30[%gather3A_350] in [0] : vector<16xi32>, vector<16xi32> -> vector<16xi32>
      %broadcast_in_dim3A_352 = arith.constant 13 : i32
      %broadcast_in_dim3A_353 = vector.broadcast %broadcast_in_dim3A_352 : i32 to vector<16x1xi32>
      %gather3A_354 = vector.shape_cast %broadcast_in_dim3A_353 : vector<16x1xi32> to vector<16xi32>
      %gather3A_355 = tpu.dynamic_gather %get3A_30[%gather3A_354] in [0] : vector<16xi32>, vector<16xi32> -> vector<16xi32>
      %broadcast_in_dim3A_356 = arith.constant 0.000000e+00 : f32
      %broadcast_in_dim3A_357 = vector.broadcast %broadcast_in_dim3A_356 : f32 to vector<16xf32>
      %scan3A_358 = arith.constant 0 : i32
      %scan3A_359 = arith.constant 62 : i32
      %scan3A_360 = arith.addi %scan3A_358, %scan3A_359 : i32
      %scan3A_361 = arith.constant 1 : i32
      %scan3A_362:2 = scf.for %scan3A_456 = %scan3A_358 to %scan3A_360 step %scan3A_361 iter_args(%scan3A_457 = %broadcast_in_dim3A_357, %scan3A_458 = %add3A_337) -> (vector<16xf32>, vector<16xf32>)  : i32 {
        %mul3A_459 = arith.constant 16 : i32
        %mul3A_460 = arith.muli %scan3A_456, %mul3A_459 : i32
        %get3A_461 = arith.constant 6 : i32
        %get3A_462 = arith.index_cast %get3A_461 : i32 to index
        %get3A_463 = arith.index_cast %mul3A_460 : i32 to index
        %get3A_464 = tpu.vector_load %arg6[%get3A_462, %get3A_463] {strides = array<i32>} : memref<8x1000xf32, #tpu.memory_space<vmem>>, vector<1x16xf32>,
        %get3A_465 = vector.shape_cast %get3A_464 : vector<1x16xf32> to vector<16xf32>
        %mul3A_466 = arith.constant 16 : i32
        %mul3A_467 = arith.muli %scan3A_456, %mul3A_466 : i32
        %add3A_468 = vector.broadcast %mul3A_467 : i32 to vector<16xi32>
        %add3A_469 = arith.addi %add3A_468, %iota3A : vector<16xi32>
        %eq3A_470 = arith.cmpi eq, %add3A_469, %gather3A_351 : vector<16xi32>
        %jit3A_471 = arith.constant 0.000000e+00 : f32
        %broadcast_in_dim3A_472 = vector.broadcast %jit3A_471 : f32 to vector<16xf32>
        %select_n3A_473 = arith.select %eq3A_470, %get3A_465, %broadcast_in_dim3A_472 : vector<16xi1>, vector<16xf32>
        %add3A_474 = arith.addf %scan3A_458, %select_n3A_473 : vector<16xf32>
        %eq3A_475 = arith.cmpi eq, %add3A_469, %gather3A_355 : vector<16xi32>
        %jit3A_476 = arith.constant 0.000000e+00 : f32
        %broadcast_in_dim3A_477 = vector.broadcast %jit3A_476 : f32 to vector<16xf32>
        %select_n3A_478 = arith.select %eq3A_475, %get3A_465, %broadcast_in_dim3A_477 : vector<16xi1>, vector<16xf32>
        %add3A_479 = arith.addf %add3A_474, %select_n3A_478 : vector<16xf32>
        %exp3A_480 = math.exp %get3A_465 : vector<16xf32>
        %add3A_481 = arith.addf %scan3A_457, %exp3A_480 : vector<16xf32>
        scf.yield %add3A_481, %add3A_479 : vector<16xf32>, vector<16xf32>
      }
      %scan3A_363 = arith.constant 62 : i32
      %get3A_364 = arith.constant 6 : i32
      %get3A_365 = arith.index_cast %get3A_364 : i32 to index
      %get3A_366 = arith.constant 984 : index
      %get3A_367 = tpu.vector_load %arg6[%get3A_365, %get3A_366] {strides = array<i32>} : memref<8x1000xf32, #tpu.memory_space<vmem>>, vector<1x16xf32>,
      %get3A_368 = vector.shape_cast %get3A_367 : vector<1x16xf32> to vector<16xf32>
      %add3A_369 = arith.constant 984 : i32
      %add3A_370 = vector.broadcast %add3A_369 : i32 to vector<16xi32>
      %add3A_371 = arith.addi %add3A_370, %iota3A : vector<16xi32>
      %ge3A_372 = arith.constant 8 : i32
      %ge3A_373 = vector.broadcast %ge3A_372 : i32 to vector<16xi32>
      %ge3A_374 = arith.cmpi sge, %iota3A, %ge3A_373 : vector<16xi32>
      %exp3A_375 = math.exp %get3A_368 : vector<16xf32>
      %jit3A_376 = arith.constant 0.000000e+00 : f32
      %broadcast_in_dim3A_377 = vector.broadcast %jit3A_376 : f32 to vector<16xf32>
      %select_n3A_378 = arith.select %ge3A_374, %exp3A_375, %broadcast_in_dim3A_377 : vector<16xi1>, vector<16xf32>
      %add3A_379 = arith.addf %scan3A_362#0, %select_n3A_378 : vector<16xf32>
      %eq3A_380 = arith.cmpi eq, %add3A_371, %gather3A_351 : vector<16xi32>
      %and3A_381 = arith.andi %ge3A_374, %eq3A_380 : vector<16xi1>
      %jit3A_382 = arith.constant 0.000000e+00 : f32
      %broadcast_in_dim3A_383 = vector.broadcast %jit3A_382 : f32 to vector<16xf32>
      %select_n3A_384 = arith.select %and3A_381, %get3A_368, %broadcast_in_dim3A_383 : vector<16xi1>, vector<16xf32>
      %add3A_385 = arith.addf %scan3A_362#1, %select_n3A_384 : vector<16xf32>
      %eq3A_386 = arith.cmpi eq, %add3A_371, %gather3A_355 : vector<16xi32>
      %and3A_387 = arith.andi %ge3A_374, %eq3A_386 : vector<16xi1>
      %jit3A_388 = arith.constant 0.000000e+00 : f32
      %broadcast_in_dim3A_389 = vector.broadcast %jit3A_388 : f32 to vector<16xf32>
      %select_n3A_390 = arith.select %and3A_387, %get3A_368, %broadcast_in_dim3A_389 : vector<16xi1>, vector<16xf32>
      %add3A_391 = arith.addf %add3A_385, %select_n3A_390 : vector<16xf32>
      %mul3A_392 = arith.constant 8 : i32
      %mul3A_393 = arith.muli %scan3A_22, %mul3A_392 : i32
      %add3A_394 = arith.constant 6 : i32
      %add3A_395 = arith.addi %mul3A_393, %add3A_394 : i32
      %mul3A_396 = arith.constant 16 : i32
      %mul3A_397 = arith.muli %add3A_395, %mul3A_396 : i32
      %swap3A_398 = arith.index_cast %mul3A_397 : i32 to index
      %swap3A_399 = tpu.vector_load %arg8[%swap3A_398] {strides = array<i32>} : memref<512xf32, #tpu.memory_space<vmem>>, vector<16xf32>,
      %swap3A_400 = vector.shape_cast %swap3A_399 : vector<16xf32> to vector<16xf32>
      %swap3A_401 = vector.shape_cast %add3A_379 : vector<16xf32> to vector<16xf32>
      tpu.vector_store %arg8[%swap3A_398], %swap3A_401 {strides = array<i32>} : memref<512xf32, #tpu.memory_space<vmem>>, vector<16xf32>,
      %broadcast_in_dim3A_402 = arith.constant 14 : i32
      %broadcast_in_dim3A_403 = vector.broadcast %broadcast_in_dim3A_402 : i32 to vector<16x1xi32>
      %gather3A_404 = vector.shape_cast %broadcast_in_dim3A_403 : vector<16x1xi32> to vector<16xi32>
      %gather3A_405 = tpu.dynamic_gather %get3A_30[%gather3A_404] in [0] : vector<16xi32>, vector<16xi32> -> vector<16xi32>
      %broadcast_in_dim3A_406 = arith.constant 15 : i32
      %broadcast_in_dim3A_407 = vector.broadcast %broadcast_in_dim3A_406 : i32 to vector<16x1xi32>
      %gather3A_408 = vector.shape_cast %broadcast_in_dim3A_407 : vector<16x1xi32> to vector<16xi32>
      %gather3A_409 = tpu.dynamic_gather %get3A_30[%gather3A_408] in [0] : vector<16xi32>, vector<16xi32> -> vector<16xi32>
      %broadcast_in_dim3A_410 = arith.constant 0.000000e+00 : f32
      %broadcast_in_dim3A_411 = vector.broadcast %broadcast_in_dim3A_410 : f32 to vector<16xf32>
      %scan3A_412 = arith.constant 0 : i32
      %scan3A_413 = arith.constant 62 : i32
      %scan3A_414 = arith.addi %scan3A_412, %scan3A_413 : i32
      %scan3A_415 = arith.constant 1 : i32
      %scan3A_416:2 = scf.for %scan3A_456 = %scan3A_412 to %scan3A_414 step %scan3A_415 iter_args(%scan3A_457 = %broadcast_in_dim3A_411, %scan3A_458 = %add3A_391) -> (vector<16xf32>, vector<16xf32>)  : i32 {
        %mul3A_459 = arith.constant 16 : i32
        %mul3A_460 = arith.muli %scan3A_456, %mul3A_459 : i32
        %get3A_461 = arith.constant 7 : i32
        %get3A_462 = arith.index_cast %get3A_461 : i32 to index
        %get3A_463 = arith.index_cast %mul3A_460 : i32 to index
        %get3A_464 = tpu.vector_load %arg6[%get3A_462, %get3A_463] {strides = array<i32>} : memref<8x1000xf32, #tpu.memory_space<vmem>>, vector<1x16xf32>,
        %get3A_465 = vector.shape_cast %get3A_464 : vector<1x16xf32> to vector<16xf32>
        %mul3A_466 = arith.constant 16 : i32
        %mul3A_467 = arith.muli %scan3A_456, %mul3A_466 : i32
        %add3A_468 = vector.broadcast %mul3A_467 : i32 to vector<16xi32>
        %add3A_469 = arith.addi %add3A_468, %iota3A : vector<16xi32>
        %eq3A_470 = arith.cmpi eq, %add3A_469, %gather3A_405 : vector<16xi32>
        %jit3A_471 = arith.constant 0.000000e+00 : f32
        %broadcast_in_dim3A_472 = vector.broadcast %jit3A_471 : f32 to vector<16xf32>
        %select_n3A_473 = arith.select %eq3A_470, %get3A_465, %broadcast_in_dim3A_472 : vector<16xi1>, vector<16xf32>
        %add3A_474 = arith.addf %scan3A_458, %select_n3A_473 : vector<16xf32>
        %eq3A_475 = arith.cmpi eq, %add3A_469, %gather3A_409 : vector<16xi32>
        %jit3A_476 = arith.constant 0.000000e+00 : f32
        %broadcast_in_dim3A_477 = vector.broadcast %jit3A_476 : f32 to vector<16xf32>
        %select_n3A_478 = arith.select %eq3A_475, %get3A_465, %broadcast_in_dim3A_477 : vector<16xi1>, vector<16xf32>
        %add3A_479 = arith.addf %add3A_474, %select_n3A_478 : vector<16xf32>
        %exp3A_480 = math.exp %get3A_465 : vector<16xf32>
        %add3A_481 = arith.addf %scan3A_457, %exp3A_480 : vector<16xf32>
        scf.yield %add3A_481, %add3A_479 : vector<16xf32>, vector<16xf32>
      }
      %scan3A_417 = arith.constant 62 : i32
      %get3A_418 = arith.constant 7 : i32
      %get3A_419 = arith.index_cast %get3A_418 : i32 to index
      %get3A_420 = arith.constant 984 : index
      %get3A_421 = tpu.vector_load %arg6[%get3A_419, %get3A_420] {strides = array<i32>} : memref<8x1000xf32, #tpu.memory_space<vmem>>, vector<1x16xf32>,
      %get3A_422 = vector.shape_cast %get3A_421 : vector<1x16xf32> to vector<16xf32>
      %add3A_423 = arith.constant 984 : i32
      %add3A_424 = vector.broadcast %add3A_423 : i32 to vector<16xi32>
      %add3A_425 = arith.addi %add3A_424, %iota3A : vector<16xi32>
      %ge3A_426 = arith.constant 8 : i32
      %ge3A_427 = vector.broadcast %ge3A_426 : i32 to vector<16xi32>
      %ge3A_428 = arith.cmpi sge, %iota3A, %ge3A_427 : vector<16xi32>
      %exp3A_429 = math.exp %get3A_422 : vector<16xf32>
      %jit3A_430 = arith.constant 0.000000e+00 : f32
      %broadcast_in_dim3A_431 = vector.broadcast %jit3A_430 : f32 to vector<16xf32>
      %select_n3A_432 = arith.select %ge3A_428, %exp3A_429, %broadcast_in_dim3A_431 : vector<16xi1>, vector<16xf32>
      %add3A_433 = arith.addf %scan3A_416#0, %select_n3A_432 : vector<16xf32>
      %eq3A_434 = arith.cmpi eq, %add3A_425, %gather3A_405 : vector<16xi32>
      %and3A_435 = arith.andi %ge3A_428, %eq3A_434 : vector<16xi1>
      %jit3A_436 = arith.constant 0.000000e+00 : f32
      %broadcast_in_dim3A_437 = vector.broadcast %jit3A_436 : f32 to vector<16xf32>
      %select_n3A_438 = arith.select %and3A_435, %get3A_422, %broadcast_in_dim3A_437 : vector<16xi1>, vector<16xf32>
      %add3A_439 = arith.addf %scan3A_416#1, %select_n3A_438 : vector<16xf32>
      %eq3A_440 = arith.cmpi eq, %add3A_425, %gather3A_409 : vector<16xi32>
      %and3A_441 = arith.andi %ge3A_428, %eq3A_440 : vector<16xi1>
      %jit3A_442 = arith.constant 0.000000e+00 : f32
      %broadcast_in_dim3A_443 = vector.broadcast %jit3A_442 : f32 to vector<16xf32>
      %select_n3A_444 = arith.select %and3A_441, %get3A_422, %broadcast_in_dim3A_443 : vector<16xi1>, vector<16xf32>
      %add3A_445 = arith.addf %add3A_439, %select_n3A_444 : vector<16xf32>
      %mul3A_446 = arith.constant 8 : i32
      %mul3A_447 = arith.muli %scan3A_22, %mul3A_446 : i32
      %add3A_448 = arith.constant 7 : i32
      %add3A_449 = arith.addi %mul3A_447, %add3A_448 : i32
      %mul3A_450 = arith.constant 16 : i32
      %mul3A_451 = arith.muli %add3A_449, %mul3A_450 : i32
      %swap3A_452 = arith.index_cast %mul3A_451 : i32 to index
      %swap3A_453 = tpu.vector_load %arg8[%swap3A_452] {strides = array<i32>} : memref<512xf32, #tpu.memory_space<vmem>>, vector<16xf32>,
      %swap3A_454 = vector.shape_cast %swap3A_453 : vector<16xf32> to vector<16xf32>
      %swap3A_455 = vector.shape_cast %add3A_433 : vector<16xf32> to vector<16xf32>
      tpu.vector_store %arg8[%swap3A_452], %swap3A_455 {strides = array<i32>} : memref<512xf32, #tpu.memory_space<vmem>>, vector<16xf32>,
      scf.yield %add3A_445 : vector<16xf32>
    }
    %scan3A_14 = arith.constant 4 : i32
    %swap3A = arith.constant 0 : index
    %swap3A_15 = tpu.vector_load %arg9[%swap3A] {strides = array<i32>} : memref<16xf32, #tpu.memory_space<vmem>>, vector<16xf32>,
    %swap3A_16 = vector.shape_cast %swap3A_15 : vector<16xf32> to vector<16xf32>
    %swap3A_17 = vector.shape_cast %scan3A_13 : vector<16xf32> to vector<16xf32>
    tpu.vector_store %arg9[%swap3A], %swap3A_17 {strides = array<i32>} : memref<16xf32, #tpu.memory_space<vmem>>, vector<16xf32>,
    %mul3A_18 = arith.constant 32 : i32
    %mul3A_19 = arith.muli %add3A, %mul3A_18 : i32
    %mul3A_20 = arith.constant 16 : i32
    %mul3A_21 = arith.muli %mul3A_19, %mul3A_20 : i32
    "tpu.region"() ({
      %run_scoped3A = tpu.sem_alloc : memref<!tpu.dma_semaphore, #tpu.memory_space<semaphore_mem>>
      %dma_start3A = tpu.memref_slice %arg4[%mul3A_21] : memref<16384xf32, #tpu.memory_space<hbm>> -> memref<512xf32, #tpu.memory_space<hbm>>
      %dma_start3A_22 = tpu.memref_slice %arg4[%mul3A_21] : memref<16384xf32, #tpu.memory_space<hbm>> -> memref<512xf32, #tpu.memory_space<hbm>>
      tpu.enqueue_dma source(%arg8 : memref<512xf32, #tpu.memory_space<vmem>>) target(%dma_start3A_22 : memref<512xf32, #tpu.memory_space<hbm>>) target_semaphore(%run_scoped3A : memref<!tpu.dma_semaphore, #tpu.memory_space<semaphore_mem>>)
      %dma_wait3A = tpu.memref_slice %arg4[%mul3A_21] : memref<16384xf32, #tpu.memory_space<hbm>> -> memref<512xf32, #tpu.memory_space<hbm>>
      %dma_wait3A_23 = tpu.memref_slice %arg4[%mul3A_21] : memref<16384xf32, #tpu.memory_space<hbm>> -> memref<512xf32, #tpu.memory_space<hbm>>
      tpu.wait_dma2 semaphore(%run_scoped3A : memref<!tpu.dma_semaphore, #tpu.memory_space<semaphore_mem>>) src(%arg8 : memref<512xf32, #tpu.memory_space<vmem>>) dst(%dma_wait3A_23 : memref<512xf32, #tpu.memory_space<hbm>>)
      tpu.yield
    }) : () -> ()
    "tpu.region"() ({
      %run_scoped3A = tpu.sem_alloc : memref<!tpu.dma_semaphore, #tpu.memory_space<semaphore_mem>>
      %dma_start3A = arith.constant 0 : i32
      %dma_start3A_22 = tpu.memref_slice %arg5[%add3A, %dma_start3A] : memref<32x16xf32, #tpu.memory_space<hbm>> -> memref<1x16xf32, #tpu.memory_space<hbm>>
      %dma_start3A_23 = tpu.memref_squeeze %dma_start3A_22 : memref<1x16xf32, #tpu.memory_space<hbm>> -> memref<16xf32, #tpu.memory_space<hbm>>
      %dma_start3A_24 = arith.constant 0 : i32
      %dma_start3A_25 = tpu.memref_slice %arg5[%add3A, %dma_start3A_24] : memref<32x16xf32, #tpu.memory_space<hbm>> -> memref<1x16xf32, #tpu.memory_space<hbm>>
      %dma_start3A_26 = tpu.memref_squeeze %dma_start3A_25 : memref<1x16xf32, #tpu.memory_space<hbm>> -> memref<16xf32, #tpu.memory_space<hbm>>
      tpu.enqueue_dma source(%arg9 : memref<16xf32, #tpu.memory_space<vmem>>) target(%dma_start3A_26 : memref<16xf32, #tpu.memory_space<hbm>>) target_semaphore(%run_scoped3A : memref<!tpu.dma_semaphore, #tpu.memory_space<semaphore_mem>>)
      %dma_wait3A = arith.constant 0 : i32
      %dma_wait3A_27 = tpu.memref_slice %arg5[%add3A, %dma_wait3A] : memref<32x16xf32, #tpu.memory_space<hbm>> -> memref<1x16xf32, #tpu.memory_space<hbm>>
      %dma_wait3A_28 = tpu.memref_squeeze %dma_wait3A_27 : memref<1x16xf32, #tpu.memory_space<hbm>> -> memref<16xf32, #tpu.memory_space<hbm>>
      %dma_wait3A_29 = arith.constant 0 : i32
      %dma_wait3A_30 = tpu.memref_slice %arg5[%add3A, %dma_wait3A_29] : memref<32x16xf32, #tpu.memory_space<hbm>> -> memref<1x16xf32, #tpu.memory_space<hbm>>
      %dma_wait3A_31 = tpu.memref_squeeze %dma_wait3A_30 : memref<1x16xf32, #tpu.memory_space<hbm>> -> memref<16xf32, #tpu.memory_space<hbm>>
      tpu.wait_dma2 semaphore(%run_scoped3A : memref<!tpu.dma_semaphore, #tpu.memory_space<semaphore_mem>>) src(%arg9 : memref<16xf32, #tpu.memory_space<vmem>>) dst(%dma_wait3A_31 : memref<16xf32, #tpu.memory_space<hbm>>)
      tpu.yield
    }) : () -> ()
    return
  }
}

module attributes {stable_mosaic.version = 14 : i64} {
  func.func @_tc_ce_kernel(%arg0: i32, %arg1: memref<2048x1000xf32, #tpu.memory_space<vmem>>, %arg2: memref<2048x2xi32, #tpu.memory_space<vmem>>, %arg3: memref<1x1xf32, #tpu.memory_space<vmem>>) attributes {dimension_semantics = [#tpu.dimension_semantics<arbitrary>], iteration_bounds = array<i64: 7>, scalar_prefetch = 0 : i64, scratch_operands = 0 : i64, tpu.core_type = #tpu.core_type<tc>, window_params = [{transform_indices = @transform_0, window_bounds = array<i64: 2048, 1000>}, {transform_indices = @transform_1, window_bounds = array<i64: 2048, 2>}, {pipeline_mode = #tpu.pipeline_mode<synchronous>, transform_indices = @transform_2, window_bounds = array<i64: 1, 1>}]} {
    %get3A = arith.constant 0 : index
    %get3A_0 = arith.constant 0 : index
    %get3A_1 = vector.load %arg1[%get3A, %get3A_0] : memref<2048x1000xf32, #tpu.memory_space<vmem>>, vector<2048x1000xf32>
    %reduce_max3A = arith.constant dense<0xFF800000> : vector<2048xf32>
    %reduce_max3A_2 = vector.multi_reduction <maximumf>, %get3A_1, %reduce_max3A [1] : vector<2048x1000xf32> to vector<2048xf32>
    %broadcast_in_dim3A = vector.shape_cast %reduce_max3A_2 : vector<2048xf32> to vector<2048x1xf32>
    %sub3A = vector.broadcast %broadcast_in_dim3A : vector<2048x1xf32> to vector<2048x1000xf32>
    %sub3A_3 = arith.subf %get3A_1, %sub3A : vector<2048x1000xf32>
    %exp3A = math.exp %sub3A_3 : vector<2048x1000xf32>
    %reduce_sum3A = arith.constant dense<0.000000e+00> : vector<2048xf32>
    %reduce_sum3A_4 = vector.multi_reduction <add>, %exp3A, %reduce_sum3A [1] : vector<2048x1000xf32> to vector<2048xf32>
    %broadcast_in_dim3A_5 = vector.shape_cast %reduce_sum3A_4 : vector<2048xf32> to vector<2048x1xf32>
    %log3A = math.log %broadcast_in_dim3A_5 : vector<2048x1xf32>
    %add3A = arith.addf %broadcast_in_dim3A, %log3A : vector<2048x1xf32>
    %iota3A = tpu.iota {dimensions = array<i32: 1>} : vector<2048x1000xi32>
    %get3A_6 = arith.constant 0 : index
    %get3A_7 = arith.constant 0 : index
    %get3A_8 = vector.load %arg2[%get3A_6, %get3A_7] : memref<2048x2xi32, #tpu.memory_space<vmem>>, vector<2048x1xi32>
    %get3A_9 = arith.constant 0 : index
    %get3A_10 = arith.constant 1 : index
    %get3A_11 = vector.load %arg2[%get3A_9, %get3A_10] : memref<2048x2xi32, #tpu.memory_space<vmem>>, vector<2048x1xi32>
    %eq3A = vector.broadcast %get3A_8 : vector<2048x1xi32> to vector<2048x1000xi32>
    %eq3A_12 = arith.cmpi eq, %iota3A, %eq3A : vector<2048x1000xi32>
    %convert_element_type3A = arith.extui %eq3A_12 : vector<2048x1000xi1> to vector<2048x1000xi32>
    %convert_element_type3A_13 = arith.sitofp %convert_element_type3A : vector<2048x1000xi32> to vector<2048x1000xf32>
    %eq3A_14 = vector.broadcast %get3A_11 : vector<2048x1xi32> to vector<2048x1000xi32>
    %eq3A_15 = arith.cmpi eq, %iota3A, %eq3A_14 : vector<2048x1000xi32>
    %convert_element_type3A_16 = arith.extui %eq3A_15 : vector<2048x1000xi1> to vector<2048x1000xi32>
    %convert_element_type3A_17 = arith.sitofp %convert_element_type3A_16 : vector<2048x1000xi32> to vector<2048x1000xf32>
    %add3A_18 = arith.addf %convert_element_type3A_13, %convert_element_type3A_17 : vector<2048x1000xf32>
    %mul3A = arith.mulf %get3A_1, %add3A_18 : vector<2048x1000xf32>
    %reduce_sum3A_19 = arith.constant dense<0.000000e+00> : vector<2048xf32>
    %reduce_sum3A_20 = vector.multi_reduction <add>, %mul3A, %reduce_sum3A_19 [1] : vector<2048x1000xf32> to vector<2048xf32>
    %broadcast_in_dim3A_21 = vector.shape_cast %reduce_sum3A_20 : vector<2048xf32> to vector<2048x1xf32>
    %mul3A_22 = arith.constant 5.000000e-01 : f32
    %mul3A_23 = vector.broadcast %mul3A_22 : f32 to vector<2048x1xf32>
    %mul3A_24 = arith.mulf %mul3A_23, %broadcast_in_dim3A_21 : vector<2048x1xf32>
    %sub3A_25 = arith.subf %add3A, %mul3A_24 : vector<2048x1xf32>
    %reduce_sum3A_26 = vector.shape_cast %sub3A_25 : vector<2048x1xf32> to vector<1x2048x1xf32>
    %reduce_sum3A_27 = arith.constant dense<0.000000e+00> : vector<1xf32>
    %reduce_sum3A_28 = vector.multi_reduction <add>, %reduce_sum3A_26, %reduce_sum3A_27 [1, 2] : vector<1x2048x1xf32> to vector<1xf32>
    %reduce_sum3A_29 = vector.shape_cast %reduce_sum3A_28 : vector<1xf32> to vector<1x1x1xf32>
    %reduce_sum3A_30 = vector.extract %reduce_sum3A_29[0, 0, 0] : f32 from vector<1x1x1xf32>
    %reshape3A = vector.broadcast %reduce_sum3A_30 : f32 to vector<1x1xf32>
    %eq3A_31 = arith.constant 0 : i32
    %eq3A_32 = arith.cmpi eq, %arg0, %eq3A_31 : i32
    %convert_element_type3A_33 = arith.extui %eq3A_32 : i1 to i32
    %cond3A = arith.constant 0 : i32
    %cond3A_34 = arith.cmpi ne, %convert_element_type3A_33, %cond3A : i32
    scf.if %cond3A_34 {
      %swap3A = arith.constant 0 : index
      %swap3A_39 = arith.constant 0 : index
      %swap3A_40 = vector.load %arg3[%swap3A, %swap3A_39] : memref<1x1xf32, #tpu.memory_space<vmem>>, vector<1x1xf32>
      tpu.vector_store %arg3[%swap3A, %swap3A_39], %reshape3A {strides = array<i32>} : memref<1x1xf32, #tpu.memory_space<vmem>>, vector<1x1xf32>,
    } else {
    }
    %ne3A = arith.constant 0 : i32
    %ne3A_35 = arith.cmpi ne, %arg0, %ne3A : i32
    %convert_element_type3A_36 = arith.extui %ne3A_35 : i1 to i32
    %cond3A_37 = arith.constant 0 : i32
    %cond3A_38 = arith.cmpi ne, %convert_element_type3A_36, %cond3A_37 : i32
    scf.if %cond3A_38 {
      %get3A_39 = arith.constant 0 : index
      %get3A_40 = arith.constant 0 : index
      %get3A_41 = vector.load %arg3[%get3A_39, %get3A_40] : memref<1x1xf32, #tpu.memory_space<vmem>>, vector<1x1xf32>
      %add3A_42 = arith.addf %get3A_41, %reshape3A : vector<1x1xf32>
      %swap3A = arith.constant 0 : index
      %swap3A_43 = arith.constant 0 : index
      %swap3A_44 = vector.load %arg3[%swap3A, %swap3A_43] : memref<1x1xf32, #tpu.memory_space<vmem>>, vector<1x1xf32>
      tpu.vector_store %arg3[%swap3A, %swap3A_43], %add3A_42 {strides = array<i32>} : memref<1x1xf32, #tpu.memory_space<vmem>>, vector<1x1xf32>,
    } else {
    }
    return
  }
  func.func @transform_0(%arg0: i32) -> (i32, i32) {
    %c0_i32 = arith.constant 0 : i32
    %c0_i32_0 = arith.constant 0 : i32
    return %arg0, %c0_i32 : i32, i32
  }
  func.func @transform_1(%arg0: i32) -> (i32, i32) {
    %c0_i32 = arith.constant 0 : i32
    %c0_i32_0 = arith.constant 0 : i32
    return %arg0, %c0_i32 : i32, i32
  }
  func.func @transform_2(%arg0: i32) -> (i32, i32) {
    %c0_i32 = arith.constant 0 : i32
    %c0_i32_0 = arith.constant 0 : i32
    %c0_i32_1 = arith.constant 0 : i32
    return %c0_i32, %c0_i32_0 : i32, i32
  }
}

module attributes {stable_mosaic.version = 14 : i64} {
  func.func @_tc_combine_kernel(%arg0: memref<1024x16xf32, #tpu.memory_space<vmem>>, %arg1: memref<1x1xf32, #tpu.memory_space<vmem>>, %arg2: memref<32x16xf32, #tpu.memory_space<vmem>>, %arg3: memref<1x1xf32, #tpu.memory_space<vmem>>) attributes {dimension_semantics = [], scalar_prefetch = 0 : i64, scratch_operands = 0 : i64, tpu.core_type = #tpu.core_type<tc>} {
    %get3A = arith.constant 0 : index
    %get3A_0 = arith.constant 0 : index
    %get3A_1 = vector.load %arg0[%get3A, %get3A_0] : memref<1024x16xf32, #tpu.memory_space<vmem>>, vector<1024x16xf32>
    %reduce_sum3A = arith.constant dense<0.000000e+00> : vector<1024xf32>
    %reduce_sum3A_2 = vector.multi_reduction <add>, %get3A_1, %reduce_sum3A [1] : vector<1024x16xf32> to vector<1024xf32>
    %broadcast_in_dim3A = vector.shape_cast %reduce_sum3A_2 : vector<1024xf32> to vector<1024x1xf32>
    %log3A = math.log %broadcast_in_dim3A : vector<1024x1xf32>
    %reduce_sum3A_3 = vector.shape_cast %log3A : vector<1024x1xf32> to vector<1x1024x1xf32>
    %reduce_sum3A_4 = arith.constant dense<0.000000e+00> : vector<1xf32>
    %reduce_sum3A_5 = vector.multi_reduction <add>, %reduce_sum3A_3, %reduce_sum3A_4 [1, 2] : vector<1x1024x1xf32> to vector<1xf32>
    %reduce_sum3A_6 = vector.shape_cast %reduce_sum3A_5 : vector<1xf32> to vector<1x1x1xf32>
    %reduce_sum3A_7 = vector.extract %reduce_sum3A_6[0, 0, 0] : f32 from vector<1x1x1xf32>
    %get3A_8 = arith.constant 0 : index
    %get3A_9 = arith.constant 0 : index
    %get3A_10 = vector.load %arg2[%get3A_8, %get3A_9] : memref<32x16xf32, #tpu.memory_space<vmem>>, vector<32x16xf32>
    %reduce_sum3A_11 = vector.shape_cast %get3A_10 : vector<32x16xf32> to vector<1x32x16xf32>
    %reduce_sum3A_12 = arith.constant dense<0.000000e+00> : vector<1xf32>
    %reduce_sum3A_13 = vector.multi_reduction <add>, %reduce_sum3A_11, %reduce_sum3A_12 [1, 2] : vector<1x32x16xf32> to vector<1xf32>
    %reduce_sum3A_14 = vector.shape_cast %reduce_sum3A_13 : vector<1xf32> to vector<1x1x1xf32>
    %reduce_sum3A_15 = vector.extract %reduce_sum3A_14[0, 0, 0] : f32 from vector<1x1x1xf32>
    %get3A_16 = arith.constant 0 : index
    %get3A_17 = arith.constant 0 : index
    %get3A_18 = vector.load %arg1[%get3A_16, %get3A_17] : memref<1x1xf32, #tpu.memory_space<vmem>>, vector<1x1xf32>
    %add3A = vector.broadcast %reduce_sum3A_7 : f32 to vector<1x1xf32>
    %add3A_19 = arith.addf %get3A_18, %add3A : vector<1x1xf32>
    %mul3A = arith.constant 5.000000e-01 : f32
    %mul3A_20 = arith.mulf %mul3A, %reduce_sum3A_15 : f32
    %sub3A = vector.broadcast %mul3A_20 : f32 to vector<1x1xf32>
    %sub3A_21 = arith.subf %add3A_19, %sub3A : vector<1x1xf32>
    %div3A = arith.constant 1.638400e+04 : f32
    %div3A_22 = vector.broadcast %div3A : f32 to vector<1x1xf32>
    %div3A_23 = arith.divf %sub3A_21, %div3A_22 : vector<1x1xf32>
    %swap3A = arith.constant 0 : index
    %swap3A_24 = arith.constant 0 : index
    %swap3A_25 = vector.load %arg3[%swap3A, %swap3A_24] : memref<1x1xf32, #tpu.memory_space<vmem>>, vector<1x1xf32>
    tpu.vector_store %arg3[%swap3A, %swap3A_24], %div3A_23 {strides = array<i32>} : memref<1x1xf32, #tpu.memory_space<vmem>>, vector<1x1xf32>,
    return
  }
}

</mosaic_0001>

<sc_bundles>
// kernel: _ce_loss.5.cloned.1.call-start
scs
__scs_entry_jumppad:
0x0: {  	(pc) =	sbr.rel $0x88, $3  }
0x1: {  	(tag) =	ssettag $0x0;
	lr =	simm.s32 $0x1  }
0x2: {  	[smem:$0x3F9E] =	sst lr;
	_ =	strace $0xD0000000  }
0x3: {  	_ = 	snop  }
0x4: {  	_ = 	snop  }
0x5: {  	_ = 	snop  }
0x6: {  	_ = 	snop  }
0x7: {  	_ = 	snop  }
__scs_overlays_trampoline_lowered:
0x8: {  	[smem:$0x3FAD] =	sst s0  }
0x9: {  	[smem:$0x3FAE] =	sst s1  }
0xa: {  	[smem:$0x3FAF] =	sst s2  }
0xb: {  	[smem:$0x3FB0] =	sst s3  }
0xc: {  	[smem:$0x3FB1] =	sst s4  }
0xd: {  	[smem:$0x3FB2] =	sst s5  }
0xe: {  	[smem:$0x3FB3] =	sst s6  }
0xf: {  	[smem:$0x3FB4] =	sst s7  }
0x10: {  	[smem:$0x3FB5] =	sst s8  }
0x11: {  	[smem:$0x3FB6] =	sst s9;
	s0 =	simm.s32 @!p0 $0x0  }
0x12: {  	s1 =	sld [smem:$0x3F9C];
	s0 =	simm.s32 @p0 $0x1  }
0x13: {  	[smem:$0x3FB7] =	sst s0;
	s0 =	simm.s32 @!p1 $0x0  }
0x14: {  	s2 =	sld [smem:$0x3F9B];
	s0 =	simm.s32 @p1 $0x1  }
0x15: {  	[smem:$0x3FB8] =	sst s0;
	s0 =	simm.s32 @!p2 $0x0  }
0x16: {  	s3 =	sld [smem:$0x3FDB];
	s0 =	simm.s32 @p2 $0x1  }
0x17: {  	s4 =	simm.s32 $0x1BF5;
	[smem:$0x3FBA] =	sst s0  }
0x18: {  	s0 =	sld [smem:$0x3F9D];
	_ =	swait.ge [sflag:s4], $0x0  }
0x19: {  	s7 =	sld [smem:$0x3F9E]  }
0x1a: {  	s8 =	sadd.s32 $0xFFFFE003, lr  }
0x1b: {  	s9 =	sadd.s32 $0xFFFFFEF7, lr;
	s5 =	simm.s32 $0xFFFFFFFF;
	p2 =	slt.u32 s8, $0xFFFFF086  }
0x1c: {  	p1 =	slt.u32 s9, $0xF7A;
	s5 =	simm.s32 @!p2 $0x0  }
0x1d: {  	s5 =	simm.s32 @p1 $0x1;
	p0 =	seq.s32 s7, s2  }
0x1e: {  	s7 =	smul.u32 @!p0 $0xF7A, s2;
	p2 =	seq.s32 @!p0 s5, $0x0  }
0x1f: {  	s9 =	smul.u32 $0xF7A, s1;
	s8 =	simm.s32 @!p0 $0x1BF5;
	p2 =	por !p2, p0  }
0x20: {  	[sflag:s8] =	ssyncset.s32 @!p0 $0xFFFFF086;
	s6 =	sadd.s32 @!p0 s3, s7;
	s7 =	simm.s32 @!p0 $0x108  }
0x21: {  	s3 =	sadd.s32 s3, s9;
	s6 =	sadd.s32 @!p0 $0x88, s6;
	s7 =	simm.s32 @p2 $0x1082  }
0x22: {  	[simem:s7], [sflag:s8] =	dma.local @!p0 [hbm:s6], $0xF7A  }
0x23: {  	s9 =	sor.u32 $0xD0000000, s2;
	s6 =	simm.s32 $0x108;
	_ =	swait.ge @!p0 [sflag:s8], $0x0  }
0x24: {  	s3 =	sadd.s32 $0x88, s3;
	s6 =	simm.s32 @!p1 $0x1082;
	[sflag:s4] =	ssyncset.s32 $0xFFFFF086  }
0x25: {  	[simem:s6], [sflag:s4] =	dma.local [hbm:s3], $0xF7A  }
0x26: {  	[smem:$0x3F9E] =	sst s1;
	(tag) =	ssettag s2;
	_ =	strace s9  }
0x27: {  	s1 =	sld [smem:$0x3FAE]  }
0x28: {  	s2 =	sld [smem:$0x3FAF]  }
0x29: {  	s4 =	sld [smem:$0x3FB1]  }
0x2a: {  	p0 =	seq.s32 s5, $0x0;
	s5 =	sld [smem:$0x3FB2]  }
0x2b: {  	s6 =	sld [smem:$0x3FB3]  }
0x2c: {  	s7 =	sld [smem:$0x3FB4]  }
0x2d: {  	s3 =	simm.s32 $0x108;
	s8 =	sld [smem:$0x3FB5]  }
0x2e: {  	s3 =	simm.s32 @!p0 $0x1082;
	s9 =	sld [smem:$0x3FB6]  }
0x2f: {  	lr =	sadd.s32 s0, s3;
	s0 =	sld [smem:$0x3FAD]  }
0x30: {  	s3 =	sld [smem:$0x3FB0]  }
0x31: {  	[smem:$0x3FB9] =	sst s10  }
0x32: {  	s10 =	sld [smem:$0x3FB7];
	_ =	sdelay $0x3  }
0x33: {  	p0 =	seq.s32 s10, $0x1;
	s10 =	sld [smem:$0x3FB9];
	_ =	sdelay $0x3  }
0x34: {  	[smem:$0x3FB9] =	sst s10  }
0x35: {  	s10 =	sld [smem:$0x3FB8];
	_ =	sdelay $0x3  }
0x36: {  	p1 =	seq.s32 s10, $0x1;
	s10 =	sld [smem:$0x3FB9];
	_ =	sdelay $0x3  }
0x37: {  	[smem:$0x3FB9] =	sst s10  }
0x38: {  	s10 =	sld [smem:$0x3FBA]  }
0x39: {  	_ = 	snop;
	(pc) =	sbr.ind lr, $3  }
0x3a: {  	_ = 	snop  }
0x3b: {  	_ = 	snop  }
0x3c: {  	p2 =	seq.s32 s10, $0x1;
	s10 =	sld [smem:$0x3FB9]  }
0x3d: {  	_ =	shalt  }
0x3e: {  	_ =	shalt  }
0x3f: {  	_ =	shalt  }
0x40: {  	_ =	shalt  }
0x41: {  	_ =	shalt  }
0x42: {  	_ =	shalt  }
0x43: {  	_ =	shalt  }
0x44: {  	_ =	shalt  }
0x45: {  	_ =	shalt  }
0x46: {  	_ =	shalt  }
0x47: {  	_ =	shalt  }
0x48: {  	_ =	shalt  }
0x49: {  	_ =	shalt  }
0x4a: {  	_ =	shalt  }
0x4b: {  	_ =	shalt  }
0x4c: {  	_ =	shalt  }
0x4d: {  	_ =	shalt  }
0x4e: {  	_ =	shalt  }
0x4f: {  	_ =	shalt  }
0x50: {  	_ =	shalt  }
0x51: {  	_ =	shalt  }
0x52: {  	_ =	shalt  }
0x53: {  	_ =	shalt  }
0x54: {  	_ =	shalt  }
0x55: {  	_ =	shalt  }
0x56: {  	_ =	shalt  }
0x57: {  	_ =	shalt  }
0x58: {  	_ =	shalt  }
0x59: {  	_ =	shalt  }
0x5a: {  	_ =	shalt  }
0x5b: {  	_ =	shalt  }
0x5c: {  	_ =	shalt  }
0x5d: {  	_ =	shalt  }
0x5e: {  	_ =	shalt  }
0x5f: {  	_ =	shalt  }
0x60: {  	_ =	shalt  }
0x61: {  	_ =	shalt  }
0x62: {  	_ =	shalt  }
0x63: {  	_ =	shalt  }
0x64: {  	_ =	shalt  }
0x65: {  	_ =	shalt  }
0x66: {  	_ =	shalt  }
0x67: {  	_ =	shalt  }
0x68: {  	_ =	shalt  }
0x69: {  	_ =	shalt  }
0x6a: {  	_ =	shalt  }
0x6b: {  	_ =	shalt  }
0x6c: {  	_ =	shalt  }
0x6d: {  	_ =	shalt  }
0x6e: {  	_ =	shalt  }
0x6f: {  	_ =	shalt  }
0x70: {  	_ =	shalt  }
0x71: {  	_ =	shalt  }
0x72: {  	_ =	shalt  }
0x73: {  	_ =	shalt  }
0x74: {  	_ =	shalt  }
0x75: {  	_ =	shalt  }
0x76: {  	_ =	shalt  }
0x77: {  	_ =	shalt  }
0x78: {  	_ =	shalt  }
0x79: {  	_ =	shalt  }
0x7a: {  	_ =	shalt  }
0x7b: {  	_ =	shalt  }
0x7c: {  	_ =	shalt  }
0x7d: {  	_ =	shalt  }
0x7e: {  	_ =	shalt  }
0x7f: {  	_ =	shalt  }
0x80: {  	_ =	shalt  }
0x81: {  	_ =	shalt  }
0x82: {  	_ =	shalt  }
0x83: {  	_ =	shalt  }
0x84: {  	_ =	shalt  }
0x85: {  	_ =	shalt  }
0x86: {  	_ =	shalt  }
0x87: {  	_ =	shalt  }
.Lfunc_end0:
.L_simem_size_0:
called_computation_lowered:
.L_overlay_start_0:
0x88: {  	s2 =	sld [smem:$0x3FD9]  }
0x89: {  	s3 =	sld [smem:$0x3FFE];
	_ =	sdelay $0x1  }
0x8a: {  	s1 =	srdreg.scid  }
0x8b: {  	s0 =	sand.u32 $0x1, s1  }
0x8c: {  	s16 =	sshll.u32 s0, $0xA;
	s2 =	sadd.s32 s3, s2  }
0x8d: {  	s2 =	sadd.s32 s2, s16  }
0x8e: {  	[smem:$0x3FC5] =	sst s2  }
0x8f: {  	_ = 	snop  }
0x90: {  	(tm) =	ssettm $0x1  }
0x91: {  	s17 =	sld [smem:$0x3FFB];
	_ =	sdelay $0x3  }
0x92: {  	_ =	strace s17  }
0x93: {  	s2 =	sld [smem:$0x3FFC];
	_ =	sdelay $0x3  }
0x94: {  	_ =	strace s2  }
0x95: {  	s2 =	sld [smem:$0x3FFD];
	_ =	sdelay $0x3  }
0x96: {  	_ =	strace s2  }
0x97: {  	_ =	strace $0x8FFFFFFF  }
0x98: {  	s18 =	sld [smem:$0x3FDB];
	_ =	sdelay $0x1  }
0x99: {  	s19 =	simm.s32 $_scs_section_size  }
0x9a: {  	s4 =	simm.s32 $_size__tile_overlayer_lowered;
	s5 =	simm.s32 $_tile_overlayer_lowered  }
0x9b: {  	s22 =	simm.s32 $0x1BFF;
	s21 =	sshll.u32 s5, $0x1;
	s2 =	sadd.s32 s19, s18  }
0x9c: {  	s6 =	simm.s32 $0x0;
	s20 =	sshll.u32 s4, $0x1;
	s4 =	sadd.s32 s21, s2  }
0x9d: {  	[timem:s6], [sflag:s22] =	dma.local [hbm:s4], s20  }
0x9e: {  	_ =	swait.ge [sflag:s22], s20  }
0x9f: {  	s3 =	ssub.s32 $0x0, s20;
	[sflag:s22] =	ssyncset.done $0x0  }
0xa0: {  	[sflag:s22] =	ssyncadd.s32 s3;
	_ =	sdelay $0x1  }
0xa1: {  	s23 =	simm.s32 $0x1B8B  }
0xa2: {  	_ =	swait.ge [sflag:s23], $0x1  }
0xa3: {  	[sflag:s23] =	ssyncset.done $0x0  }
0xa4: {  	s25 =	simm.s32 $0x1B8E;
	s24 =	sld [smem:$0x3FFE];
	[sflag:s23] =	ssyncadd.s32 $0xFFFFFFFF  }
0xa5: {  	s26 =	simm.s32 $execute0_lowered;
	[smem:$0x3FD2] =	sst s25  }
0xa6: {  	s4 =	sshll.u32 s26, $0x1;
	_ =	strace $0x80000046;
	[dreg:$0x1] =	wrdreg $0xFFFFFFFF  }
0xa7: {  	s28 =	simm.s32 $_size_execute0_lowered;
	s2 =	sadd.s32 s2, s4;
	[dreg:$0x0] =	wrdreg $0x0  }
0xa8: {  	s4 =	sshll.u32 s28, $0x1;
	[dreg:$0x2] =	wrdreg s2  }
0xa9: {  	[dreg:$0x3] =	wrdreg s4  }
0xaa: {  	[dreg:$0x4] =	wrdreg $0xC0  }
0xab: {  	_ =	task [dreg:s6], $0x5FFFF  }
0xac: {  	[dreg:$0x1] =	wrdreg $0xFFFFFFFF  }
0xad: {  	[dreg:$0x0] =	wrdreg $0x60  }
0xae: {  	[dreg:$0x2] =	wrdreg s24  }
0xaf: {  	[dreg:$0x3] =	wrdreg $0x9  }
0xb0: {  	_ =	task.clear_ibuf [dreg:s6], $0x4FFFF;
	_ =	strace $0x90000046  }
0xb1: {  	s29 =	simm.s32 $0x9;
	_ =	strace $0x80000048  }
0xb2: {  	_ =	swait.ge [sflag:s29], $0x1  }
0xb3: {  	[sflag:s29] =	ssyncadd.s32 $0xFFFFFFFF  }
0xb4: {  	_ =	strace $0x90000048  }
0xb5: {  	_ =	sfence  }
0xb6: {  	s30 =	sld [smem:$0x0];
	_ =	sdelay $0x2  }
0xb7: {  	s31 =	sshll.u32 s1, $0xD;
	s1 =	sshrl.u32 s1, $0x2  }
0xb8: {  	s3 =	sand.u32 $0x4000, s31;
	s1 =	sadd.s32 s1, s30  }
0xb9: {  	s0 =	sor.u32 s3, s0;
	s1 =	sshll.u32 s1, $0x11  }
0xba: {  	s0 =	sor.u32 s1, s0  }
0xbb: {  	s0 =	sadd.s32 $0x8F2B, s0  }
0xbc: {  	[sflag:s0] =	ssyncadd.remote.s32 $0x1  }
0xbd: {  	_ =	sfence.sel $0xFFFF  }
0xbe: {  	[dreg:$0x0] =	wrdreg $0xFFFFFFFF;
	(pc) =	sbr.abs _section_cstart, $3  }
0xbf: {  	[dreg:$0x1] =	wrdreg $0xFFFFFFFF  }
0xc0: {  	_ =	task.clear_ibuf [dreg:s6], $0x2FFFF;
	_ =	strace $0x9FFFFFFF  }
0xc1: {  	(tm) =	ssettm $0x7FFFFFFF  }
tec
execute0_lowered:
.L_overlay_start_1:
0x0: {  	(tag) =	ssettag $0x1  }
0x1: {  	s1 =	srdreg.scid  }
0x2: {  	s0 =	stileid.u32;
	s5 =	rddreg [dreg:$0x0]  }
0x3: {  	v0 =	vimm.s32 $0xFEDCBA98;
	s2 =	simm.s32 $0x0;
	s11 =	simm.s32 $0x2280;
	s12 =	simm.s32 $0x0  }
0x4: {  	v1 =	vimm.s32 $0x76543210;
	v2 =	vlaneseq.u32;
	vm0 =	vmmov $0xff;
	s3 =	sand.u32 $0x1, s1;
	s31 =	sshll.u32 s0, $0x1;
	[smem:$0x7FF] =	sst s2  }
0x5: {  	vm1 =	vcmask $0x3F20;
	v5 =	vimm.s32 $0x2;
	v6 =	vimm.s32 $0x3;
	s1 =	rddreg [dreg:$0x1];
	s4 =	sor.u32 s3, s31;
	_ =	strace $0x80000047  }
0x6: {  	v7 =	vimm.s32 $0x4;
	v8 =	vimm.s32 $0x5;
	v9 =	vimm.s32 $0x6;
	s3 =	ssub.s32 $0x2, s3;
	s6 =	sshll.u32 s4, $0x5;
	s8 =	sshll.u32 s4, $0x6  }
0x7: {  	v10 =	vimm.s32 $0x7;
	v11 =	vimm.s32 $0x8;
	v0 =	vunpack.c.l.s4.s8 v0;
	s4 =	sshll.u32 s4, $0x4;
	s9 =	sshrl.u32 s3, $0x1;
	s6 =	sor.u32 $0x3C00, s6  }
0x8: {  	v12 =	vimm.s32 $0x9;
	v13 =	vimm.s32 $0xA;
	v1 =	vunpack.c.l.s4.s8 v1;
	s8 =	sadd.s32 s8, s5;
	s10 =	sadd.s32 s4, s5;
	s7 =	sshll.u32 s6, $0x7  }
0x9: {  	v14 =	vimm.s32 $0xB;
	v15 =	vimm.s32 $0xC;
	v3 =	vunpack.c.0.s8.s32 v0;
	s9 =	ssub.s32 s3, s9;
	s6 =	sshrl.u32 s6, $0x2;
	s7 =	sadd.s32 s7, s5  }
0xa: {  	v16 =	vimm.s32 $0xD;
	v17 =	vimm.s32 $0xE;
	v4 =	vunpack.c.0.s8.s32 v1;
	s6 =	sadd.s32 s6, s5;
	s5 =	sadd.s32 $0x201800, s8;
	s8 =	simm.s32 $0x2000  }
0xb: {  	v18 =	vimm.s32 $0xF;
	v0 =	vimm.s32 $0x0;
	v3 =	vand.u32 $0xF, v3;
	s3 =	sadd.s32 $0x800, s6;
	s4 =	sadd.s32 $0x1800, s7;
	s6 =	sadd.s32 $0x202000, s10  }
0xc: {  	v1 =	vimm.s32 $0x1;
	v3 =	vcombine.low v3, v4;
	v4 =	vadd.s32 $0x3D8, v2;
	s7 =	smax.u32 s9, $0x1;
	s9 =	simm.s32 $0x1;
	s10 =	simm.s32 $0x2080  }
.LBB2_1:
0xd: {  	[tilespmem:s8], [sflag:$0x1] =	stream.linear.gather [hbm4b:s3+s2], $0x40, $0x38;
	[tilespmem:$0x2300] =	vst v63  }
0xe: {  	_ =	swait.ge [sflag:s9], $0x40  }
0xf: {  	[sflag:s9] =	ssyncset.done $0x0  }
0x10: {  	v22 =	vimm.f32 $0.0e+00;
	s13 =	simm.s32 $0x0;
	[sflag:s9] =	ssyncadd.s32 $0xFFFFFFC0  }
.LBB2_2:
0x11: {  	s14 =	sshll.u32 s13, $0xA  }
0x12: {  	s15 =	simm.s32 $0x0;
	s14 =	sadd.s32 s14, s4  }
0x13: {  	[tilespmem:s15], [sflag:$0x1] =	stream.linear.gather [hbm4b:s14+s15], $0x2000, $0x38;
	[tilespmem:$0x2300] =	vst v63  }
0x14: {  	_ =	swait.ge [sflag:s9], $0x2000  }
0x15: {  	s24 =	sshll.u32 s13, $0x4;
	[sflag:s9] =	ssyncset.done $0x0  }
0x16: {  	s14 =	sand.u32 $0x3FFFFFF0, s24;
	[sflag:s9] =	ssyncadd.s32 $0xFFFFE000  }
0x17: {  	v19 =	vld [tilespmem:s14+$0x2000]  }
0x18: {  	s25 =	sand.u32 $0x70, s15;
	s16 =	sand.u32 $0x1C00, s15  }
0x19: {  	s14 =	sor.u32 s25, s16  }
0x1a: {  	v24 =	vld [tilespmem:s14+$0x0];
	_ =	sdelay $0x1  }
0x1b: {  	v21 =	vperm.xlane v19, v0  }
0x1c: {  	s26 =	simm.s32 $0x10;
	s28 =	simm.s32 $0x80;
	v25 =	vor.u32 s15, v2;
	v20 =	vperm.xlane v19, v1  }
0x1d: {  	s17 =	sand.u32 $0x70, s26;
	s16 =	sand.u32 $0x1C00, s28;
	vm2 =	veq.s32 v25, v21  }
0x1e: {  	s29 =	sor.u32 s17, s16;
	v26 =	vnsel vm2, $0x0, v24;
	vm2 =	veq.s32 v25, v20;
	v25 =	vmul.f32 $1.442695020e+00, v24  }
0x1f: {  	v23 =	vld [tilespmem:s29+$0x0]  }
0x20: {  	(erf) = vpow2.f32 v25  }
0x21: {  	v22 =	vadd.f32 v26, v22  }
0x22: {  	v27 =	vor.u32 s26, v2;
	s15 =	simm.s32 $0x20;
	s16 =	simm.s32 $0x100;
	v24 =	vnsel vm2, $0x0, v24  }
0x23: {  	s30 =	sand.u32 $0x70, s15;
	s31 =	sand.u32 $0x1C00, s16;
	vm2 =	veq.s32 v27, v21;
	v24 =	vadd.f32 v22, v24  }
0x24: {  	s18 =	sor.u32 s30, s31;
	v26 =	vmul.f32 $1.442695020e+00, v23;
	v25 =	vnsel vm2, $0x0, v23  }
0x25: {  	s14 =	simm.s32 $0x30;
	s17 =	simm.s32 $0x40;
	vm2 =	veq.s32 v27, v20;
	v22 =	vld [tilespmem:s18+$0x0];
	v25 =	vadd.f32 v25, v24;
	v24 =	vimm.f32 $0.0e+00  }
.LBB2_3:
0x26: {  	p0 =	sne.s32 s17, $0x3D0;
	v23 =	vnsel vm2, $0x0, v23;
	(erf) = vpow2.f32 v26;
	s18 =	smov.u32 s17;
	s17 =	sadd.s32 $0x10, s17  }
.Ltmp0:
0x27: {  	v25 =	vadd.f32 v25, v23;
	(pc) =	sbr.rel @p0 .LBB2_3-.Ltmp0, $4  }
0x28: {  	v27 =	vor.u32 s15, v2;
	s16 =	sadd.s32 $0x80, s16;
	s15 =	smov.u32 s14;
	s14 =	smov.u32 s18  }
0x29: {  	s18 =	sand.u32 $0x70, s15;
	s19 =	sand.u32 $0x1C00, s16;
	vm2 =	veq.s32 v27, v21;
	v23 =	vpop (erf)  }
0x2a: {  	s18 =	sor.u32 s18, s19;
	v28 =	vnsel vm2, $0x0, v22;
	v26 =	vmul.f32 $1.442695020e+00, v22;
	v24 =	vadd.f32 v23, v24;
	v23 =	vmovc v22  }
0x2b: {  	vm2 =	veq.s32 v27, v20;
	v22 =	vld [tilespmem:s18+$0x0];
	v25 =	vadd.f32 v28, v25  }
0x2c: {  	s16 =	sadd.s32 $0x80, s16  }
0x2d: {  	s17 =	sand.u32 $0x70, s14;
	s16 =	sand.u32 $0x1C00, s16  }
0x2e: {  	s16 =	sor.u32 s17, s16  }
0x2f: {  	v27 =	vld [tilespmem:s16+$0x0]  }
0x30: {  	v28 =	vld.msk [tilespmem:$0x1C60], $0xff;
	_ =	sdelay $0x2  }
0x31: {  	v29 =	vmul.f32 $1.442695020e+00, v22  }
0x32: {  	(erf) = vpow2.f32 v26;
	v26 =	vmul.f32 $1.442695020e+00, v27  }
0x33: {  	v59 =	vmul.f32 $1.442695020e+00, v28;
	(erf) = vpow2.f32 v29  }
0x34: {  	(erf) = vpow2.f32 v26  }
0x35: {  	(erf) = vpow2.f32 v59;
	_ =	sdelay $0x3  }
0x36: {  	v26 =	vpop (erf)  }
0x37: {  	v23 =	vnsel vm2, $0x0, v23;
	v60 =	vor.u32 s15, v2;
	v24 =	vadd.f32 v26, v24  }
0x38: {  	v23 =	vadd.f32 v25, v23;
	vm2 =	veq.s32 v60, v21;
	v26 =	vpop (erf)  }
0x39: {  	v25 =	vnsel vm2, $0x0, v22;
	v30 =	vpop (erf);
	v24 =	vadd.f32 v26, v24  }
0x3a: {  	vm2 =	veq.s32 v60, v20;
	v23 =	vadd.f32 v25, v23;
	v25 =	vld [tilespmem:$0x1C50];
	v26 =	vpop (erf)  }
0x3b: {  	v62 =	vor.u32 s14, v2;
	v22 =	vnsel vm2, $0x0, v22;
	v24 =	vadd.f32 v30, v24;
	v61 =	vpop (erf)  }
0x3c: {  	vm2 =	veq.s32 v62, v21;
	v22 =	vadd.f32 v23, v22;
	v29 =	vperm.xlane v61, v3  }
0x3d: {  	v23 =	vadd.f32 v26, v24;
	v24 =	vnsel vm2, $0x0, v27  }
0x3e: {  	vm2 =	veq.s32 v62, v20;
	v22 =	vadd.f32 v24, v22;
	v26 =	vsel vm0, $0x0, v29  }
0x3f: {  	s22 =	sshll.u32 s13, $0x7;
	s23 =	simm.s32 $0x0;
	v24 =	vperm.xlane v25, v3;
	v25 =	vperm.xlane v28, v3;
	v23 =	vadd.f32 v26, v23  }
0x40: {  	s14 =	sand.u32 $0x3FFFFF80, s22;
	s24 =	sand.u32 $0x70, s23;
	s25 =	sand.u32 $0x1C00, s23;
	v26 =	vnsel vm2, $0x0, v27;
	vm2 =	veq.s32 v21, v4  }
0x41: {  	s16 =	sor.u32 s24, s25;
	v21 =	vadd.f32 v22, v26;
	v22 =	vsel vm0, v24, v25;
	vm2 =	vmand vm2, vm1;
	[tilespmem:s14+$0x2080] =	vst v23  }
0x42: {  	v24 =	vnsel vm2, $0x0, v22;
	vm2 =	veq.s32 v20, v4;
	v23 =	vld [tilespmem:s16+$0x80]  }
0x43: {  	v20 =	vadd.f32 v24, v21;
	vm2 =	vmand vm2, vm1  }
0x44: {  	v21 =	vperm.xlane v19, v5;
	v22 =	vnsel vm2, $0x0, v22  }
0x45: {  	s26 =	simm.s32 $0x10;
	s28 =	simm.s32 $0x80;
	v25 =	vor.u32 s23, v2;
	v22 =	vadd.f32 v20, v22;
	v20 =	vperm.xlane v19, v6  }
0x46: {  	s18 =	sand.u32 $0x70, s26;
	s16 =	sand.u32 $0x1C00, s28;
	vm2 =	veq.s32 v25, v21  }
0x47: {  	s29 =	sor.u32 s18, s16;
	v26 =	vnsel vm2, $0x0, v23;
	vm2 =	veq.s32 v25, v20;
	v25 =	vmul.f32 $1.442695020e+00, v23  }
0x48: {  	v24 =	vld [tilespmem:s29+$0x80]  }
0x49: {  	(erf) = vpow2.f32 v25  }
0x4a: {  	v22 =	vadd.f32 v26, v22  }
0x4b: {  	s17 =	simm.s32 $0x100;
	v27 =	vor.u32 s26, v2;
	s16 =	simm.s32 $0x20;
	v23 =	vnsel vm2, $0x0, v23  }
0x4c: {  	s31 =	sand.u32 $0x1C00, s17;
	s30 =	sand.u32 $0x70, s16;
	vm2 =	veq.s32 v27, v21;
	v63 =	vadd.f32 v22, v23  }
0x4d: {  	s19 =	sor.u32 s30, s31;
	v25 =	vnsel vm2, $0x0, v24;
	v26 =	vmul.f32 $1.442695020e+00, v24  }
0x4e: {  	s15 =	simm.s32 $0x30;
	s18 =	simm.s32 $0x40;
	vm2 =	veq.s32 v27, v20;
	v23 =	vimm.f32 $0.0e+00;
	v22 =	vld [tilespmem:s19+$0x80];
	v25 =	vadd.f32 v25, v63  }
.LBB2_5:
0x4f: {  	p0 =	sne.s32 s18, $0x3D0;
	v24 =	vnsel vm2, $0x0, v24;
	(erf) = vpow2.f32 v26;
	s19 =	smov.u32 s18;
	s18 =	sadd.s32 $0x10, s18  }
.Ltmp1:
0x50: {  	v25 =	vadd.f32 v25, v24;
	(pc) =	sbr.rel @p0 .LBB2_5-.Ltmp1, $4  }
0x51: {  	v27 =	vor.u32 s16, v2;
	s17 =	sadd.s32 $0x80, s17;
	s16 =	smov.u32 s15;
	s15 =	smov.u32 s19  }
0x52: {  	s19 =	sand.u32 $0x70, s16;
	s20 =	sand.u32 $0x1C00, s17;
	vm2 =	veq.s32 v27, v21;
	v24 =	vpop (erf)  }
0x53: {  	s19 =	sor.u32 s19, s20;
	v28 =	vnsel vm2, $0x0, v22;
	v26 =	vmul.f32 $1.442695020e+00, v22;
	v23 =	vadd.f32 v24, v23;
	v24 =	vmovc v22  }
0x54: {  	vm2 =	veq.s32 v27, v20;
	v22 =	vld [tilespmem:s19+$0x80];
	v25 =	vadd.f32 v28, v25  }
0x55: {  	s17 =	sadd.s32 $0x80, s17  }
0x56: {  	s18 =	sand.u32 $0x70, s15;
	s17 =	sand.u32 $0x1C00, s17  }
0x57: {  	s17 =	sor.u32 s18, s17  }
0x58: {  	v27 =	vld [tilespmem:s17+$0x80]  }
0x59: {  	v28 =	vld.msk [tilespmem:$0x1CE0], $0xff;
	_ =	sdelay $0x2  }
0x5a: {  	v29 =	vmul.f32 $1.442695020e+00, v22  }
0x5b: {  	(erf) = vpow2.f32 v26;
	v26 =	vmul.f32 $1.442695020e+00, v27  }
0x5c: {  	v59 =	vmul.f32 $1.442695020e+00, v28;
	(erf) = vpow2.f32 v29  }
0x5d: {  	(erf) = vpow2.f32 v26  }
0x5e: {  	(erf) = vpow2.f32 v59;
	_ =	sdelay $0x3  }
0x5f: {  	v26 =	vpop (erf)  }
0x60: {  	v24 =	vnsel vm2, $0x0, v24;
	v60 =	vor.u32 s16, v2;
	v23 =	vadd.f32 v26, v23  }
0x61: {  	v24 =	vadd.f32 v25, v24;
	vm2 =	veq.s32 v60, v21;
	v26 =	vpop (erf)  }
0x62: {  	v25 =	vnsel vm2, $0x0, v22;
	v30 =	vpop (erf);
	v23 =	vadd.f32 v26, v23  }
0x63: {  	vm2 =	veq.s32 v60, v20;
	v24 =	vadd.f32 v25, v24;
	v25 =	vld [tilespmem:$0x1CD0];
	v26 =	vpop (erf)  }
0x64: {  	v62 =	vor.u32 s15, v2;
	v22 =	vnsel vm2, $0x0, v22;
	v23 =	vadd.f32 v30, v23;
	v61 =	vpop (erf)  }
0x65: {  	vm2 =	veq.s32 v62, v21;
	v22 =	vadd.f32 v24, v22;
	v29 =	vperm.xlane v61, v3  }
0x66: {  	v24 =	vnsel vm2, $0x0, v27;
	v23 =	vadd.f32 v26, v23  }
0x67: {  	vm2 =	veq.s32 v62, v20;
	v22 =	vadd.f32 v24, v22;
	v26 =	vsel vm0, $0x0, v29  }
0x68: {  	s22 =	simm.s32 $0x0;
	v24 =	vperm.xlane v25, v3;
	v25 =	vperm.xlane v28, v3;
	v23 =	vadd.f32 v26, v23  }
0x69: {  	s23 =	sand.u32 $0x70, s22;
	s24 =	sand.u32 $0x1C00, s22;
	v26 =	vnsel vm2, $0x0, v27;
	vm2 =	veq.s32 v21, v4  }
0x6a: {  	s16 =	sor.u32 s23, s24;
	v21 =	vadd.f32 v22, v26;
	v22 =	vsel vm0, v24, v25;
	vm2 =	vmand vm2, vm1;
	[tilespmem:s14+$0x2090] =	vst v23  }
0x6b: {  	v24 =	vnsel vm2, $0x0, v22;
	vm2 =	veq.s32 v20, v4;
	v23 =	vld [tilespmem:s16+$0x100]  }
0x6c: {  	v20 =	vadd.f32 v24, v21;
	vm2 =	vmand vm2, vm1  }
0x6d: {  	v21 =	vperm.xlane v19, v7;
	v22 =	vnsel vm2, $0x0, v22  }
0x6e: {  	s25 =	simm.s32 $0x10;
	s26 =	simm.s32 $0x80;
	v25 =	vor.u32 s22, v2;
	v22 =	vadd.f32 v20, v22;
	v20 =	vperm.xlane v19, v8  }
0x6f: {  	s28 =	sand.u32 $0x70, s25;
	s16 =	sand.u32 $0x1C00, s26;
	vm2 =	veq.s32 v25, v21  }
0x70: {  	s29 =	sor.u32 s28, s16;
	v26 =	vnsel vm2, $0x0, v23;
	vm2 =	veq.s32 v25, v20;
	v25 =	vmul.f32 $1.442695020e+00, v23  }
0x71: {  	v24 =	vld [tilespmem:s29+$0x100]  }
0x72: {  	(erf) = vpow2.f32 v25  }
0x73: {  	v22 =	vadd.f32 v26, v22  }
0x74: {  	s17 =	simm.s32 $0x100;
	v27 =	vor.u32 s25, v2;
	s16 =	simm.s32 $0x20;
	v23 =	vnsel vm2, $0x0, v23  }
0x75: {  	s31 =	sand.u32 $0x1C00, s17;
	s30 =	sand.u32 $0x70, s16;
	vm2 =	veq.s32 v27, v21;
	v63 =	vadd.f32 v22, v23  }
0x76: {  	s19 =	sor.u32 s30, s31;
	v25 =	vnsel vm2, $0x0, v24;
	v26 =	vmul.f32 $1.442695020e+00, v24  }
0x77: {  	s15 =	simm.s32 $0x30;
	s18 =	simm.s32 $0x40;
	vm2 =	veq.s32 v27, v20;
	v23 =	vimm.f32 $0.0e+00;
	v22 =	vld [tilespmem:s19+$0x100];
	v25 =	vadd.f32 v25, v63  }
.LBB2_7:
0x78: {  	p0 =	sne.s32 s18, $0x3D0;
	v24 =	vnsel vm2, $0x0, v24;
	(erf) = vpow2.f32 v26;
	s19 =	smov.u32 s18;
	s18 =	sadd.s32 $0x10, s18  }
.Ltmp2:
0x79: {  	v25 =	vadd.f32 v25, v24;
	(pc) =	sbr.rel @p0 .LBB2_7-.Ltmp2, $4  }
0x7a: {  	v27 =	vor.u32 s16, v2;
	s17 =	sadd.s32 $0x80, s17;
	s16 =	smov.u32 s15;
	s15 =	smov.u32 s19  }
0x7b: {  	s19 =	sand.u32 $0x70, s16;
	s20 =	sand.u32 $0x1C00, s17;
	vm2 =	veq.s32 v27, v21;
	v24 =	vpop (erf)  }
0x7c: {  	s19 =	sor.u32 s19, s20;
	v28 =	vnsel vm2, $0x0, v22;
	v26 =	vmul.f32 $1.442695020e+00, v22;
	v23 =	vadd.f32 v24, v23;
	v24 =	vmovc v22  }
0x7d: {  	vm2 =	veq.s32 v27, v20;
	v22 =	vld [tilespmem:s19+$0x100];
	v25 =	vadd.f32 v28, v25  }
0x7e: {  	s17 =	sadd.s32 $0x80, s17  }
0x7f: {  	s18 =	sand.u32 $0x70, s15;
	s17 =	sand.u32 $0x1C00, s17  }
0x80: {  	s17 =	sor.u32 s18, s17  }
0x81: {  	v27 =	vld [tilespmem:s17+$0x100]  }
0x82: {  	v28 =	vld.msk [tilespmem:$0x1D60], $0xff;
	_ =	sdelay $0x2  }
0x83: {  	v29 =	vmul.f32 $1.442695020e+00, v22  }
0x84: {  	(erf) = vpow2.f32 v26;
	v26 =	vmul.f32 $1.442695020e+00, v27  }
0x85: {  	v59 =	vmul.f32 $1.442695020e+00, v28;
	(erf) = vpow2.f32 v29  }
0x86: {  	(erf) = vpow2.f32 v26  }
0x87: {  	(erf) = vpow2.f32 v59;
	_ =	sdelay $0x3  }
0x88: {  	v26 =	vpop (erf)  }
0x89: {  	v24 =	vnsel vm2, $0x0, v24;
	v60 =	vor.u32 s16, v2;
	v23 =	vadd.f32 v26, v23  }
0x8a: {  	v24 =	vadd.f32 v25, v24;
	vm2 =	veq.s32 v60, v21;
	v26 =	vpop (erf)  }
0x8b: {  	v25 =	vnsel vm2, $0x0, v22;
	v30 =	vpop (erf);
	v23 =	vadd.f32 v26, v23  }
0x8c: {  	vm2 =	veq.s32 v60, v20;
	v24 =	vadd.f32 v25, v24;
	v25 =	vld [tilespmem:$0x1D50];
	v26 =	vpop (erf)  }
0x8d: {  	v62 =	vor.u32 s15, v2;
	v22 =	vnsel vm2, $0x0, v22;
	v23 =	vadd.f32 v30, v23;
	v61 =	vpop (erf)  }
0x8e: {  	vm2 =	veq.s32 v62, v21;
	v22 =	vadd.f32 v24, v22;
	v29 =	vperm.xlane v61, v3  }
0x8f: {  	v24 =	vnsel vm2, $0x0, v27;
	v23 =	vadd.f32 v26, v23  }
0x90: {  	vm2 =	veq.s32 v62, v20;
	v22 =	vadd.f32 v24, v22;
	v26 =	vsel vm0, $0x0, v29  }
0x91: {  	s22 =	simm.s32 $0x0;
	v24 =	vperm.xlane v25, v3;
	v25 =	vperm.xlane v28, v3;
	v23 =	vadd.f32 v26, v23  }
0x92: {  	s23 =	sand.u32 $0x70, s22;
	s24 =	sand.u32 $0x1C00, s22;
	v26 =	vnsel vm2, $0x0, v27;
	vm2 =	veq.s32 v21, v4  }
0x93: {  	s16 =	sor.u32 s23, s24;
	v21 =	vadd.f32 v22, v26;
	v22 =	vsel vm0, v24, v25;
	vm2 =	vmand vm2, vm1;
	[tilespmem:s14+$0x20A0] =	vst v23  }
0x94: {  	v24 =	vnsel vm2, $0x0, v22;
	vm2 =	veq.s32 v20, v4;
	v23 =	vld [tilespmem:s16+$0x180]  }
0x95: {  	v20 =	vadd.f32 v24, v21;
	vm2 =	vmand vm2, vm1  }
0x96: {  	v21 =	vperm.xlane v19, v9;
	v22 =	vnsel vm2, $0x0, v22  }
0x97: {  	s25 =	simm.s32 $0x10;
	s26 =	simm.s32 $0x80;
	v25 =	vor.u32 s22, v2;
	v22 =	vadd.f32 v20, v22;
	v20 =	vperm.xlane v19, v10  }
0x98: {  	s28 =	sand.u32 $0x70, s25;
	s16 =	sand.u32 $0x1C00, s26;
	vm2 =	veq.s32 v25, v21  }
0x99: {  	s29 =	sor.u32 s28, s16;
	v26 =	vnsel vm2, $0x0, v23;
	vm2 =	veq.s32 v25, v20;
	v25 =	vmul.f32 $1.442695020e+00, v23  }
0x9a: {  	v24 =	vld [tilespmem:s29+$0x180]  }
0x9b: {  	(erf) = vpow2.f32 v25  }
0x9c: {  	v22 =	vadd.f32 v26, v22  }
0x9d: {  	s17 =	simm.s32 $0x100;
	v27 =	vor.u32 s25, v2;
	s16 =	simm.s32 $0x20;
	v23 =	vnsel vm2, $0x0, v23  }
0x9e: {  	s31 =	sand.u32 $0x1C00, s17;
	s30 =	sand.u32 $0x70, s16;
	vm2 =	veq.s32 v27, v21;
	v63 =	vadd.f32 v22, v23  }
0x9f: {  	s19 =	sor.u32 s30, s31;
	v25 =	vnsel vm2, $0x0, v24;
	v26 =	vmul.f32 $1.442695020e+00, v24  }
0xa0: {  	s15 =	simm.s32 $0x30;
	s18 =	simm.s32 $0x40;
	vm2 =	veq.s32 v27, v20;
	v23 =	vimm.f32 $0.0e+00;
	v22 =	vld [tilespmem:s19+$0x180];
	v25 =	vadd.f32 v25, v63  }
.LBB2_9:
0xa1: {  	p0 =	sne.s32 s18, $0x3D0;
	v24 =	vnsel vm2, $0x0, v24;
	(erf) = vpow2.f32 v26;
	s19 =	smov.u32 s18;
	s18 =	sadd.s32 $0x10, s18  }
.Ltmp3:
0xa2: {  	v25 =	vadd.f32 v25, v24;
	(pc) =	sbr.rel @p0 .LBB2_9-.Ltmp3, $4  }
0xa3: {  	v27 =	vor.u32 s16, v2;
	s17 =	sadd.s32 $0x80, s17;
	s16 =	smov.u32 s15;
	s15 =	smov.u32 s19  }
0xa4: {  	s19 =	sand.u32 $0x70, s16;
	s20 =	sand.u32 $0x1C00, s17;
	vm2 =	veq.s32 v27, v21;
	v24 =	vpop (erf)  }
0xa5: {  	s19 =	sor.u32 s19, s20;
	v28 =	vnsel vm2, $0x0, v22;
	v26 =	vmul.f32 $1.442695020e+00, v22;
	v23 =	vadd.f32 v24, v23;
	v24 =	vmovc v22  }
0xa6: {  	vm2 =	veq.s32 v27, v20;
	v22 =	vld [tilespmem:s19+$0x180];
	v25 =	vadd.f32 v28, v25  }
0xa7: {  	s17 =	sadd.s32 $0x80, s17  }
0xa8: {  	s18 =	sand.u32 $0x70, s15;
	s17 =	sand.u32 $0x1C00, s17  }
0xa9: {  	s17 =	sor.u32 s18, s17  }
0xaa: {  	v27 =	vld [tilespmem:s17+$0x180]  }
0xab: {  	v28 =	vld.msk [tilespmem:$0x1DE0], $0xff;
	_ =	sdelay $0x2  }
0xac: {  	v29 =	vmul.f32 $1.442695020e+00, v22  }
0xad: {  	(erf) = vpow2.f32 v26;
	v26 =	vmul.f32 $1.442695020e+00, v27  }
0xae: {  	v59 =	vmul.f32 $1.442695020e+00, v28;
	(erf) = vpow2.f32 v29  }
0xaf: {  	(erf) = vpow2.f32 v26  }
0xb0: {  	(erf) = vpow2.f32 v59;
	_ =	sdelay $0x3  }
0xb1: {  	v26 =	vpop (erf)  }
0xb2: {  	v24 =	vnsel vm2, $0x0, v24;
	v60 =	vor.u32 s16, v2;
	v23 =	vadd.f32 v26, v23  }
0xb3: {  	v24 =	vadd.f32 v25, v24;
	vm2 =	veq.s32 v60, v21;
	v26 =	vpop (erf)  }
0xb4: {  	v25 =	vnsel vm2, $0x0, v22;
	v30 =	vpop (erf);
	v23 =	vadd.f32 v26, v23  }
0xb5: {  	vm2 =	veq.s32 v60, v20;
	v24 =	vadd.f32 v25, v24;
	v25 =	vld [tilespmem:$0x1DD0];
	v26 =	vpop (erf)  }
0xb6: {  	v62 =	vor.u32 s15, v2;
	v22 =	vnsel vm2, $0x0, v22;
	v23 =	vadd.f32 v30, v23;
	v61 =	vpop (erf)  }
0xb7: {  	vm2 =	veq.s32 v62, v21;
	v22 =	vadd.f32 v24, v22;
	v29 =	vperm.xlane v61, v3  }
0xb8: {  	v24 =	vnsel vm2, $0x0, v27;
	v23 =	vadd.f32 v26, v23  }
0xb9: {  	vm2 =	veq.s32 v62, v20;
	v22 =	vadd.f32 v24, v22;
	v26 =	vsel vm0, $0x0, v29  }
0xba: {  	s22 =	simm.s32 $0x0;
	v24 =	vperm.xlane v25, v3;
	v25 =	vperm.xlane v28, v3;
	v23 =	vadd.f32 v26, v23  }
0xbb: {  	s23 =	sand.u32 $0x70, s22;
	s24 =	sand.u32 $0x1C00, s22;
	v26 =	vnsel vm2, $0x0, v27;
	vm2 =	veq.s32 v21, v4  }
0xbc: {  	s16 =	sor.u32 s23, s24;
	v21 =	vadd.f32 v22, v26;
	v22 =	vsel vm0, v24, v25;
	vm2 =	vmand vm2, vm1;
	[tilespmem:s14+$0x20B0] =	vst v23  }
0xbd: {  	v24 =	vnsel vm2, $0x0, v22;
	vm2 =	veq.s32 v20, v4;
	v23 =	vld [tilespmem:s16+$0x200]  }
0xbe: {  	v20 =	vadd.f32 v24, v21;
	vm2 =	vmand vm2, vm1  }
0xbf: {  	v21 =	vperm.xlane v19, v11;
	v22 =	vnsel vm2, $0x0, v22  }
0xc0: {  	s25 =	simm.s32 $0x10;
	s26 =	simm.s32 $0x80;
	v25 =	vor.u32 s22, v2;
	v22 =	vadd.f32 v20, v22;
	v20 =	vperm.xlane v19, v12  }
0xc1: {  	s28 =	sand.u32 $0x70, s25;
	s16 =	sand.u32 $0x1C00, s26;
	vm2 =	veq.s32 v25, v21  }
0xc2: {  	s29 =	sor.u32 s28, s16;
	v26 =	vnsel vm2, $0x0, v23;
	vm2 =	veq.s32 v25, v20;
	v25 =	vmul.f32 $1.442695020e+00, v23  }
0xc3: {  	v24 =	vld [tilespmem:s29+$0x200]  }
0xc4: {  	(erf) = vpow2.f32 v25  }
0xc5: {  	v22 =	vadd.f32 v26, v22  }
0xc6: {  	s17 =	simm.s32 $0x100;
	v27 =	vor.u32 s25, v2;
	s16 =	simm.s32 $0x20;
	v23 =	vnsel vm2, $0x0, v23  }
0xc7: {  	s31 =	sand.u32 $0x1C00, s17;
	s30 =	sand.u32 $0x70, s16;
	vm2 =	veq.s32 v27, v21;
	v63 =	vadd.f32 v22, v23  }
0xc8: {  	s19 =	sor.u32 s30, s31;
	v25 =	vnsel vm2, $0x0, v24;
	v26 =	vmul.f32 $1.442695020e+00, v24  }
0xc9: {  	s15 =	simm.s32 $0x30;
	s18 =	simm.s32 $0x40;
	vm2 =	veq.s32 v27, v20;
	v23 =	vimm.f32 $0.0e+00;
	v22 =	vld [tilespmem:s19+$0x200];
	v25 =	vadd.f32 v25, v63  }
.LBB2_11:
0xca: {  	p0 =	sne.s32 s18, $0x3D0;
	v24 =	vnsel vm2, $0x0, v24;
	(erf) = vpow2.f32 v26;
	s19 =	smov.u32 s18;
	s18 =	sadd.s32 $0x10, s18  }
.Ltmp4:
0xcb: {  	v25 =	vadd.f32 v25, v24;
	(pc) =	sbr.rel @p0 .LBB2_11-.Ltmp4, $4  }
0xcc: {  	v27 =	vor.u32 s16, v2;
	s17 =	sadd.s32 $0x80, s17;
	s16 =	smov.u32 s15;
	s15 =	smov.u32 s19  }
0xcd: {  	s19 =	sand.u32 $0x70, s16;
	s20 =	sand.u32 $0x1C00, s17;
	vm2 =	veq.s32 v27, v21;
	v24 =	vpop (erf)  }
0xce: {  	s19 =	sor.u32 s19, s20;
	v28 =	vnsel vm2, $0x0, v22;
	v26 =	vmul.f32 $1.442695020e+00, v22;
	v23 =	vadd.f32 v24, v23;
	v24 =	vmovc v22  }
0xcf: {  	vm2 =	veq.s32 v27, v20;
	v22 =	vld [tilespmem:s19+$0x200];
	v25 =	vadd.f32 v28, v25  }
0xd0: {  	s17 =	sadd.s32 $0x80, s17  }
0xd1: {  	s18 =	sand.u32 $0x70, s15;
	s17 =	sand.u32 $0x1C00, s17  }
0xd2: {  	s17 =	sor.u32 s18, s17  }
0xd3: {  	v27 =	vld [tilespmem:s17+$0x200]  }
0xd4: {  	v28 =	vld.msk [tilespmem:$0x1E60], $0xff;
	_ =	sdelay $0x2  }
0xd5: {  	v29 =	vmul.f32 $1.442695020e+00, v22  }
0xd6: {  	(erf) = vpow2.f32 v26;
	v26 =	vmul.f32 $1.442695020e+00, v27  }
0xd7: {  	v59 =	vmul.f32 $1.442695020e+00, v28;
	(erf) = vpow2.f32 v29  }
0xd8: {  	(erf) = vpow2.f32 v26  }
0xd9: {  	(erf) = vpow2.f32 v59;
	_ =	sdelay $0x3  }
0xda: {  	v26 =	vpop (erf)  }
0xdb: {  	v24 =	vnsel vm2, $0x0, v24;
	v60 =	vor.u32 s16, v2;
	v23 =	vadd.f32 v26, v23  }
0xdc: {  	v24 =	vadd.f32 v25, v24;
	vm2 =	veq.s32 v60, v21;
	v26 =	vpop (erf)  }
0xdd: {  	v25 =	vnsel vm2, $0x0, v22;
	v30 =	vpop (erf);
	v23 =	vadd.f32 v26, v23  }
0xde: {  	vm2 =	veq.s32 v60, v20;
	v24 =	vadd.f32 v25, v24;
	v25 =	vld [tilespmem:$0x1E50];
	v26 =	vpop (erf)  }
0xdf: {  	v62 =	vor.u32 s15, v2;
	v22 =	vnsel vm2, $0x0, v22;
	v23 =	vadd.f32 v30, v23;
	v61 =	vpop (erf)  }
0xe0: {  	vm2 =	veq.s32 v62, v21;
	v22 =	vadd.f32 v24, v22;
	v29 =	vperm.xlane v61, v3  }
0xe1: {  	v24 =	vnsel vm2, $0x0, v27;
	v23 =	vadd.f32 v26, v23  }
0xe2: {  	vm2 =	veq.s32 v62, v20;
	v22 =	vadd.f32 v24, v22;
	v26 =	vsel vm0, $0x0, v29  }
0xe3: {  	s22 =	simm.s32 $0x0;
	v24 =	vperm.xlane v25, v3;
	v25 =	vperm.xlane v28, v3;
	v23 =	vadd.f32 v26, v23  }
0xe4: {  	s23 =	sand.u32 $0x70, s22;
	s24 =	sand.u32 $0x1C00, s22;
	v26 =	vnsel vm2, $0x0, v27;
	vm2 =	veq.s32 v21, v4  }
0xe5: {  	s16 =	sor.u32 s23, s24;
	v21 =	vadd.f32 v22, v26;
	v22 =	vsel vm0, v24, v25;
	vm2 =	vmand vm2, vm1;
	[tilespmem:s14+$0x20C0] =	vst v23  }
0xe6: {  	v24 =	vnsel vm2, $0x0, v22;
	vm2 =	veq.s32 v20, v4;
	v23 =	vld [tilespmem:s16+$0x280]  }
0xe7: {  	v20 =	vadd.f32 v24, v21;
	vm2 =	vmand vm2, vm1  }
0xe8: {  	v21 =	vperm.xlane v19, v13;
	v22 =	vnsel vm2, $0x0, v22  }
0xe9: {  	s25 =	simm.s32 $0x10;
	s26 =	simm.s32 $0x80;
	v25 =	vor.u32 s22, v2;
	v22 =	vadd.f32 v20, v22;
	v20 =	vperm.xlane v19, v14  }
0xea: {  	s28 =	sand.u32 $0x70, s25;
	s16 =	sand.u32 $0x1C00, s26;
	vm2 =	veq.s32 v25, v21  }
0xeb: {  	s29 =	sor.u32 s28, s16;
	v26 =	vnsel vm2, $0x0, v23;
	vm2 =	veq.s32 v25, v20;
	v25 =	vmul.f32 $1.442695020e+00, v23  }
0xec: {  	v24 =	vld [tilespmem:s29+$0x280]  }
0xed: {  	(erf) = vpow2.f32 v25  }
0xee: {  	v22 =	vadd.f32 v26, v22  }
0xef: {  	s17 =	simm.s32 $0x100;
	v27 =	vor.u32 s25, v2;
	s16 =	simm.s32 $0x20;
	v23 =	vnsel vm2, $0x0, v23  }
0xf0: {  	s31 =	sand.u32 $0x1C00, s17;
	s30 =	sand.u32 $0x70, s16;
	vm2 =	veq.s32 v27, v21;
	v63 =	vadd.f32 v22, v23  }
0xf1: {  	s19 =	sor.u32 s30, s31;
	v25 =	vnsel vm2, $0x0, v24;
	v26 =	vmul.f32 $1.442695020e+00, v24  }
0xf2: {  	s15 =	simm.s32 $0x30;
	s18 =	simm.s32 $0x40;
	vm2 =	veq.s32 v27, v20;
	v23 =	vimm.f32 $0.0e+00;
	v22 =	vld [tilespmem:s19+$0x280];
	v25 =	vadd.f32 v25, v63  }
.LBB2_13:
0xf3: {  	p0 =	sne.s32 s18, $0x3D0;
	v24 =	vnsel vm2, $0x0, v24;
	(erf) = vpow2.f32 v26;
	s19 =	smov.u32 s18;
	s18 =	sadd.s32 $0x10, s18  }
.Ltmp5:
0xf4: {  	v25 =	vadd.f32 v25, v24;
	(pc) =	sbr.rel @p0 .LBB2_13-.Ltmp5, $4  }
0xf5: {  	v27 =	vor.u32 s16, v2;
	s17 =	sadd.s32 $0x80, s17;
	s16 =	smov.u32 s15;
	s15 =	smov.u32 s19  }
0xf6: {  	s19 =	sand.u32 $0x70, s16;
	s20 =	sand.u32 $0x1C00, s17;
	vm2 =	veq.s32 v27, v21;
	v24 =	vpop (erf)  }
0xf7: {  	s19 =	sor.u32 s19, s20;
	v28 =	vnsel vm2, $0x0, v22;
	v26 =	vmul.f32 $1.442695020e+00, v22;
	v23 =	vadd.f32 v24, v23;
	v24 =	vmovc v22  }
0xf8: {  	vm2 =	veq.s32 v27, v20;
	v22 =	vld [tilespmem:s19+$0x280];
	v25 =	vadd.f32 v28, v25  }
0xf9: {  	s17 =	sadd.s32 $0x80, s17  }
0xfa: {  	s18 =	sand.u32 $0x70, s15;
	s17 =	sand.u32 $0x1C00, s17  }
0xfb: {  	s17 =	sor.u32 s18, s17  }
0xfc: {  	v27 =	vld [tilespmem:s17+$0x280]  }
0xfd: {  	v28 =	vld.msk [tilespmem:$0x1EE0], $0xff;
	_ =	sdelay $0x2  }
0xfe: {  	v29 =	vmul.f32 $1.442695020e+00, v22  }
0xff: {  	(erf) = vpow2.f32 v26;
	v26 =	vmul.f32 $1.442695020e+00, v27  }
0x100: {  	v59 =	vmul.f32 $1.442695020e+00, v28;
	(erf) = vpow2.f32 v29  }
0x101: {  	(erf) = vpow2.f32 v26  }
0x102: {  	(erf) = vpow2.f32 v59;
	_ =	sdelay $0x3  }
0x103: {  	v26 =	vpop (erf)  }
0x104: {  	v24 =	vnsel vm2, $0x0, v24;
	v60 =	vor.u32 s16, v2;
	v23 =	vadd.f32 v26, v23  }
0x105: {  	v24 =	vadd.f32 v25, v24;
	vm2 =	veq.s32 v60, v21;
	v26 =	vpop (erf)  }
0x106: {  	v25 =	vnsel vm2, $0x0, v22;
	v30 =	vpop (erf);
	v23 =	vadd.f32 v26, v23  }
0x107: {  	vm2 =	veq.s32 v60, v20;
	v24 =	vadd.f32 v25, v24;
	v25 =	vld [tilespmem:$0x1ED0];
	v26 =	vpop (erf)  }
0x108: {  	v62 =	vor.u32 s15, v2;
	v22 =	vnsel vm2, $0x0, v22;
	v23 =	vadd.f32 v30, v23;
	v61 =	vpop (erf)  }
0x109: {  	vm2 =	veq.s32 v62, v21;
	v22 =	vadd.f32 v24, v22;
	v29 =	vperm.xlane v61, v3  }
0x10a: {  	v24 =	vnsel vm2, $0x0, v27;
	v23 =	vadd.f32 v26, v23  }
0x10b: {  	vm2 =	veq.s32 v62, v20;
	v22 =	vadd.f32 v24, v22;
	v26 =	vsel vm0, $0x0, v29  }
0x10c: {  	s22 =	simm.s32 $0x0;
	v24 =	vperm.xlane v25, v3;
	v25 =	vperm.xlane v28, v3;
	v23 =	vadd.f32 v26, v23  }
0x10d: {  	s23 =	sand.u32 $0x70, s22;
	s24 =	sand.u32 $0x1C00, s22;
	v26 =	vnsel vm2, $0x0, v27;
	vm2 =	veq.s32 v21, v4  }
0x10e: {  	s16 =	sor.u32 s23, s24;
	v21 =	vadd.f32 v22, v26;
	v22 =	vsel vm0, v24, v25;
	vm2 =	vmand vm2, vm1;
	[tilespmem:s14+$0x20D0] =	vst v23  }
0x10f: {  	v24 =	vnsel vm2, $0x0, v22;
	vm2 =	veq.s32 v20, v4;
	v23 =	vld [tilespmem:s16+$0x300]  }
0x110: {  	v20 =	vadd.f32 v24, v21;
	vm2 =	vmand vm2, vm1  }
0x111: {  	v21 =	vperm.xlane v19, v15;
	v22 =	vnsel vm2, $0x0, v22  }
0x112: {  	s25 =	simm.s32 $0x10;
	s26 =	simm.s32 $0x80;
	v25 =	vor.u32 s22, v2;
	v22 =	vadd.f32 v20, v22;
	v20 =	vperm.xlane v19, v16  }
0x113: {  	s28 =	sand.u32 $0x70, s25;
	s16 =	sand.u32 $0x1C00, s26;
	vm2 =	veq.s32 v25, v21  }
0x114: {  	s29 =	sor.u32 s28, s16;
	v26 =	vnsel vm2, $0x0, v23;
	vm2 =	veq.s32 v25, v20;
	v25 =	vmul.f32 $1.442695020e+00, v23  }
0x115: {  	v24 =	vld [tilespmem:s29+$0x300]  }
0x116: {  	(erf) = vpow2.f32 v25  }
0x117: {  	v22 =	vadd.f32 v26, v22  }
0x118: {  	s17 =	simm.s32 $0x100;
	v27 =	vor.u32 s25, v2;
	s16 =	simm.s32 $0x20;
	v23 =	vnsel vm2, $0x0, v23  }
0x119: {  	s31 =	sand.u32 $0x1C00, s17;
	s30 =	sand.u32 $0x70, s16;
	vm2 =	veq.s32 v27, v21;
	v63 =	vadd.f32 v22, v23  }
0x11a: {  	s19 =	sor.u32 s30, s31;
	v25 =	vnsel vm2, $0x0, v24;
	v26 =	vmul.f32 $1.442695020e+00, v24  }
0x11b: {  	s15 =	simm.s32 $0x30;
	s18 =	simm.s32 $0x40;
	vm2 =	veq.s32 v27, v20;
	v23 =	vimm.f32 $0.0e+00;
	v22 =	vld [tilespmem:s19+$0x300];
	v25 =	vadd.f32 v25, v63  }
.LBB2_15:
0x11c: {  	p0 =	sne.s32 s18, $0x3D0;
	v24 =	vnsel vm2, $0x0, v24;
	(erf) = vpow2.f32 v26;
	s19 =	smov.u32 s18;
	s18 =	sadd.s32 $0x10, s18  }
.Ltmp6:
0x11d: {  	v25 =	vadd.f32 v25, v24;
	(pc) =	sbr.rel @p0 .LBB2_15-.Ltmp6, $4  }
0x11e: {  	v27 =	vor.u32 s16, v2;
	s17 =	sadd.s32 $0x80, s17;
	s16 =	smov.u32 s15;
	s15 =	smov.u32 s19  }
0x11f: {  	s19 =	sand.u32 $0x70, s16;
	s20 =	sand.u32 $0x1C00, s17;
	vm2 =	veq.s32 v27, v21;
	v24 =	vpop (erf)  }
0x120: {  	s19 =	sor.u32 s19, s20;
	v28 =	vnsel vm2, $0x0, v22;
	v26 =	vmul.f32 $1.442695020e+00, v22;
	v23 =	vadd.f32 v24, v23;
	v24 =	vmovc v22  }
0x121: {  	vm2 =	veq.s32 v27, v20;
	v22 =	vld [tilespmem:s19+$0x300];
	v25 =	vadd.f32 v28, v25  }
0x122: {  	s17 =	sadd.s32 $0x80, s17  }
0x123: {  	s18 =	sand.u32 $0x70, s15;
	s17 =	sand.u32 $0x1C00, s17  }
0x124: {  	s17 =	sor.u32 s18, s17  }
0x125: {  	v27 =	vld [tilespmem:s17+$0x300]  }
0x126: {  	v28 =	vld.msk [tilespmem:$0x1F60], $0xff;
	_ =	sdelay $0x2  }
0x127: {  	v29 =	vmul.f32 $1.442695020e+00, v22  }
0x128: {  	(erf) = vpow2.f32 v26;
	v26 =	vmul.f32 $1.442695020e+00, v27  }
0x129: {  	v60 =	vmul.f32 $1.442695020e+00, v28;
	(erf) = vpow2.f32 v29  }
0x12a: {  	(erf) = vpow2.f32 v26  }
0x12b: {  	(erf) = vpow2.f32 v60;
	_ =	sdelay $0x3  }
0x12c: {  	v26 =	vpop (erf)  }
0x12d: {  	v23 =	vadd.f32 v26, v23  }
0x12e: {  	v24 =	vnsel vm2, $0x0, v24;
	v61 =	vor.u32 s16, v2;
	v26 =	vpop (erf)  }
0x12f: {  	v24 =	vadd.f32 v25, v24;
	vm2 =	veq.s32 v61, v21;
	v30 =	vpop (erf);
	v23 =	vadd.f32 v26, v23  }
0x130: {  	v25 =	vnsel vm2, $0x0, v22;
	v26 =	vpop (erf)  }
0x131: {  	v24 =	vadd.f32 v25, v24;
	v25 =	vld [tilespmem:$0x1F50];
	v23 =	vadd.f32 v30, v23;
	v62 =	vpop (erf)  }
0x132: {  	vm2 =	veq.s32 v61, v20;
	v29 =	vperm.xlane v62, v3  }
0x133: {  	v63 =	vor.u32 s15, v2;
	v22 =	vnsel vm2, $0x0, v22;
	v23 =	vadd.f32 v26, v23  }
0x134: {  	vm2 =	veq.s32 v63, v21;
	v22 =	vadd.f32 v24, v22;
	v26 =	vsel vm0, $0x0, v29  }
0x135: {  	s25 =	simm.s32 $0x0;
	v24 =	vnsel vm2, $0x0, v27;
	vm2 =	veq.s32 v63, v20;
	v23 =	vadd.f32 v26, v23  }
0x136: {  	s26 =	sor.u32 s25, s25;
	v22 =	vadd.f32 v24, v22;
	v24 =	vperm.xlane v25, v3;
	v25 =	vperm.xlane v28, v3  }
0x137: {  	s16 =	sor.u32 $0x380, s26;
	v26 =	vnsel vm2, $0x0, v27;
	vm2 =	veq.s32 v21, v4;
	[tilespmem:s14+$0x20E0] =	vst v23  }
0x138: {  	v21 =	vadd.f32 v22, v26;
	v22 =	vsel vm0, v24, v25;
	vm2 =	vmand vm2, vm1;
	v24 =	vld [tilespmem:s16+$0x0]  }
0x139: {  	v23 =	vnsel vm2, $0x0, v22;
	vm2 =	veq.s32 v20, v4  }
0x13a: {  	v20 =	vperm.xlane v19, v17;
	v21 =	vadd.f32 v23, v21;
	vm2 =	vmand vm2, vm1  }
0x13b: {  	v25 =	vor.u32 s25, v2;
	v22 =	vnsel vm2, $0x0, v22  }
0x13c: {  	s28 =	simm.s32 $0x10;
	s29 =	simm.s32 $0x80;
	vm2 =	veq.s32 v25, v20;
	v21 =	vadd.f32 v21, v22  }
0x13d: {  	s17 =	sor.u32 s29, s28;
	v22 =	vnsel vm2, $0x0, v24  }
0x13e: {  	s30 =	sor.u32 $0x380, s17;
	v21 =	vadd.f32 v22, v21;
	v22 =	vmul.f32 $1.442695020e+00, v24  }
0x13f: {  	v19 =	vperm.xlane v19, v18;
	v23 =	vld [tilespmem:s30+$0x0]  }
0x140: {  	(erf) = vpow2.f32 v22  }
0x141: {  	vm2 =	veq.s32 v25, v19  }
0x142: {  	s15 =	simm.s32 $0x20;
	s17 =	simm.s32 $0x100;
	v26 =	vor.u32 s28, v2;
	v24 =	vnsel vm2, $0x0, v24  }
0x143: {  	s31 =	sor.u32 s17, s15;
	vm2 =	veq.s32 v26, v20;
	v24 =	vadd.f32 v21, v24  }
0x144: {  	s19 =	sor.u32 $0x380, s31;
	v25 =	vmul.f32 $1.442695020e+00, v23;
	v27 =	vnsel vm2, $0x0, v23  }
0x145: {  	s18 =	simm.s32 $0x40;
	s16 =	simm.s32 $0x30;
	vm2 =	veq.s32 v26, v19;
	v21 =	vimm.f32 $0.0e+00;
	v22 =	vld [tilespmem:s19+$0x0];
	v24 =	vadd.f32 v27, v24  }
.LBB2_17:
0x146: {  	p0 =	sne.s32 s18, $0x3D0;
	v23 =	vnsel vm2, $0x0, v23;
	(erf) = vpow2.f32 v25;
	s19 =	smov.u32 s18;
	s18 =	sadd.s32 $0x10, s18  }
.Ltmp7:
0x147: {  	v24 =	vadd.f32 v24, v23;
	(pc) =	sbr.rel @p0 .LBB2_17-.Ltmp7, $4  }
0x148: {  	v26 =	vor.u32 s15, v2;
	s17 =	sadd.s32 $0x80, s17;
	s15 =	smov.u32 s16;
	s16 =	smov.u32 s19  }
0x149: {  	s19 =	sor.u32 s17, s15;
	vm2 =	veq.s32 v26, v20;
	v23 =	vpop (erf)  }
0x14a: {  	s19 =	sor.u32 $0x380, s19;
	v27 =	vnsel vm2, $0x0, v22;
	v25 =	vmul.f32 $1.442695020e+00, v22;
	v21 =	vadd.f32 v23, v21;
	v23 =	vmovc v22  }
0x14b: {  	vm2 =	veq.s32 v26, v19;
	v22 =	vld [tilespmem:s19+$0x0];
	v24 =	vadd.f32 v27, v24  }
0x14c: {  	s17 =	sadd.s32 $0x80, s17  }
0x14d: {  	s17 =	sor.u32 s17, s16  }
0x14e: {  	s17 =	sor.u32 $0x380, s17  }
0x14f: {  	v26 =	vld [tilespmem:s17+$0x0]  }
0x150: {  	v27 =	vld.msk [tilespmem:$0x1FE0], $0xff;
	_ =	sdelay $0x2  }
0x151: {  	v28 =	vmul.f32 $1.442695020e+00, v22  }
0x152: {  	(erf) = vpow2.f32 v25;
	v51 =	vmul.f32 $1.442695020e+00, v26  }
0x153: {  	v52 =	vmul.f32 $1.442695020e+00, v27;
	(erf) = vpow2.f32 v28  }
0x154: {  	(erf) = vpow2.f32 v51  }
0x155: {  	v23 =	vnsel vm2, $0x0, v23;
	v53 =	vor.u32 s15, v2;
	(erf) = vpow2.f32 v52  }
0x156: {  	v23 =	vadd.f32 v24, v23;
	vm2 =	veq.s32 v53, v20  }
0x157: {  	v54 =	vnsel vm2, $0x0, v22  }
0x158: {  	v23 =	vadd.f32 v54, v23  }
0x159: {  	v56 =	vld [tilespmem:$0x1FD0];
	v55 =	vpop (erf);
	vm2 =	veq.s32 v53, v19  }
0x15a: {  	v57 =	vor.u32 s16, v2;
	v21 =	vadd.f32 v55, v21;
	v22 =	vnsel vm2, $0x0, v22  }
0x15b: {  	vm2 =	veq.s32 v57, v20;
	v22 =	vadd.f32 v23, v22;
	v58 =	vpop (erf)  }
0x15c: {  	v59 =	vnsel vm2, $0x0, v26;
	vm2 =	veq.s32 v57, v19;
	v21 =	vadd.f32 v58, v21;
	v23 =	vpop (erf)  }
0x15d: {  	v61 =	vperm.xlane v27, v3;
	v22 =	vadd.f32 v59, v22;
	v25 =	vnsel vm2, $0x0, v26;
	v60 =	vpop (erf)  }
0x15e: {  	s13 =	sadd.s32 $0x1, s13;
	vm2 =	veq.s32 v20, v4;
	v21 =	vadd.f32 v23, v21;
	v23 =	vperm.xlane v56, v3;
	v62 =	vpop (erf)  }
0x15f: {  	p0 =	sne.s32 s13, $0x4;
	vm2 =	vmand vm2, vm1;
	v63 =	vperm.xlane v62, v3  }
.Ltmp8:
0x160: {  	v22 =	vadd.f32 v22, v25;
	v20 =	vadd.f32 v60, v21;
	v21 =	vsel vm0, v23, v61;
	(pc) =	sbr.rel @p0 .LBB2_2-.Ltmp8, $4  }
0x161: {  	v24 =	vnsel vm2, $0x0, v21;
	vm2 =	veq.s32 v19, v4;
	v23 =	vsel vm0, $0x0, v63  }
0x162: {  	vm2 =	vmand vm2, vm1;
	v19 =	vadd.f32 v23, v20;
	v20 =	vadd.f32 v24, v22  }
0x163: {  	v21 =	vnsel vm2, $0x0, v21  }
0x164: {  	v22 =	vadd.f32 v20, v21;
	[tilespmem:s14+$0x20F0] =	vst v19  }
0x165: {  	_ = 	snop  }
0x166: {  	[tilespmem:$0x2280] =	vst v22  }
0x167: {  	[hbm4b:s5+s2] =	stream.linear.scatter [tilespmem:s10], [sflag:$0x1], $0x200, $0x38;
	[tilespmem:$0x2300] =	vst v63  }
0x168: {  	s12 =	sadd.s32 $0x1, s12;
	_ =	swait.ge [sflag:s9], $0x200  }
0x169: {  	p0 =	sne.s32 s12, s7;
	[sflag:s9] =	ssyncset.done $0x0  }
.Ltmp9:
0x16a: {  	[sflag:s9] =	ssyncadd.s32 $0xFFFFFE00;
	(pc) =	sbr.rel @p0 .LBB2_1-.Ltmp9, $4  }
0x16b: {  	[hbm4b:s6+s2] =	stream.linear.scatter [tilespmem:s11], [sflag:$0x1], $0x80, $0x38;
	[tilespmem:$0x2300] =	vst v63  }
0x16c: {  	_ =	swait.ge [sflag:s9], $0x80  }
0x16d: {  	[sflag:s9] =	ssyncset.done $0x0  }
0x16e: {  	[sflag:s9] =	ssyncadd.s32 $0xFFFFFF80  }
0x16f: {  	_ =	sfence.sel $0x180000  }
0x170: {  	[bflag:$0x0] =	sbarrier.arrive $0xFFFF  }
0x171: {  	p0 =	sne.s32 s0, $0x0;
	_ =	strace $0x90000047  }
0x172: {  	s0 =	sadd.s32 @!p0 $0x100000, s1;
	[bflag:$0x2] =	sbarrier.arrive $0xFFFF  }
0x173: {  	[sflag:s0] =	ssyncadd.tile.s32 @!p0 $0x1;
	_ =	shalt  }
.Lfunc_end2:
_tile_overlayer_lowered:
.L_overlay_start_2:
0x174: {  	(tag) =	ssettag $0x2  }
0x175: {  	s0 =	rddreg [dreg:$0x0];
	s2 =	stileid.u32  }
0x176: {  	s1 =	rddreg [dreg:$0x1];
	p0 =	sne.s32 s2, $0x0  }
0x177: {  	s3 =	rddreg [dreg:$0x2];
	[bflag:$0x3] =	sbarrier.arrive $0xFFFF;
	s2 =	simm.s32 @!p0 $0x1C01  }
0x178: {  	[timem:s3], [sflag:s2] =	dma.local @!p0 [hbm:s0], s1  }
0x179: {  	s0 =	simm.s32 @!p0 $0x1  }
0x17a: {  	_ =	swait.ge @!p0 [sflag:s0], s1  }
0x17b: {  	s1 =	ssub.s32 @!p0 $0x0, s1;
	[sflag:s0] =	ssyncset.done @!p0 $0x0  }
0x17c: {  	[sflag:s0] =	ssyncadd.s32 @!p0 s1  }
0x17d: {  	[bflag:$0x3] =	sbarrier.arrive $0xFFFF  }
0x17e: {  	_ =	shalt  }

</sc_bundles>
